<compile_context>
chip_gen: v7x
topology: tpu7x:2x2x1
jax: 0.10.2.dev20260603
libtpu: 0.0.44.dev20260713+nightly
codegen_flags: <defaults>
</compile_context>

<pallas_src>
import functools

import jax
import jax.numpy as jnp
from jax import lax
from jax.experimental import pallas as pl
from jax.experimental.pallas import tpu as pltpu
from jax.experimental.pallas import tpu_sc as plsc

N = 10000
E = 320000
DIN = 128
DH = 512
DOUT = 128

NC = 2
NS = 16
NW = NC * NS
CHUNK = 128
GDEPTH = 1
CH = GDEPTH * (-(-E // (NW * CHUNK * GDEPTH)))
E_PAD = NW * CH * CHUNK
N_PAD = 10240
ROWS_PER_SUB = N_PAD // NS
CNTW = 16

BLK = 2000



@functools.lru_cache(maxsize=None)
def _make_sc_agg(with_counts: bool):
    mesh = plsc.VectorSubcoreMesh(core_axis_name="c", subcore_axis_name="s",
                                  num_cores=NC, num_subcores=NS)

    out_type = [jax.ShapeDtypeStruct((NC, N_PAD, DIN), jnp.float32)]
    scratch = (
        [pltpu.VMEM((CHUNK,), jnp.int32) for _ in range(GDEPTH)]
        + [pltpu.VMEM((CHUNK,), jnp.int32) for _ in range(GDEPTH)]
        + [pltpu.VMEM((CHUNK, DIN), jnp.float32) for _ in range(GDEPTH)]
        + [
            pltpu.VMEM_SHARED((N_PAD, DIN), jnp.float32),
            pltpu.SemaphoreType.DMA,
        ]
    )
    if with_counts:
        out_type.append(jax.ShapeDtypeStruct((NC, N_PAD, CNTW), jnp.float32))
        scratch += [
            pltpu.VMEM((CHUNK, CNTW), jnp.float32),
            pltpu.VMEM_SHARED((N_PAD, CNTW), jnp.float32),
        ]

    @functools.partial(
        pl.kernel,
        out_type=out_type,
        mesh=mesh,
        scratch_types=scratch,
        compiler_params=pltpu.CompilerParams(use_tc_tiling_on_sc=False),
    )
    def sc_agg(*refs):
        if with_counts:
            (table, src2, dst2, zrow, zcnt, ones, acc_out, cnt_out) = refs[:8]
            rest = refs[8:]
        else:
            (table, src2, dst2, zrow, acc_out) = refs[:5]
            rest = refs[5:]
        sidx = rest[:GDEPTH]
        didx = rest[GDEPTH:2 * GDEPTH]
        rows = rest[2 * GDEPTH:3 * GDEPTH]
        acc_sh, sem = rest[3 * GDEPTH:3 * GDEPTH + 2]
        if with_counts:
            ones_v, cnt_sh = rest[3 * GDEPTH + 2:]

        c = lax.axis_index("c")
        s = lax.axis_index("s")
        w = c * NS + s

        base = s * ROWS_PER_SUB
        pltpu.sync_copy(zrow.at[pl.ds(base, ROWS_PER_SUB)],
                        acc_sh.at[pl.ds(base, ROWS_PER_SUB)])
        if with_counts:
            pltpu.sync_copy(zcnt.at[pl.ds(base, ROWS_PER_SUB)],
                            cnt_sh.at[pl.ds(base, ROWS_PER_SUB)])
            pltpu.sync_copy(ones, ones_v)
        plsc.subcore_barrier()

        @pl.loop(0, CH // GDEPTH)
        def _(i):
            row0 = w * CH + i * GDEPTH
            for t in range(GDEPTH):
                pltpu.sync_copy(src2.at[row0 + t], sidx[t])
                pltpu.sync_copy(dst2.at[row0 + t], didx[t])
                pltpu.async_copy(table.at[sidx[t]], rows[t], sem)
            for t in range(GDEPTH):
                pltpu.make_async_copy(table.at[sidx[t]], rows[t], sem).wait()
            for t in range(GDEPTH):
                pltpu.sync_copy(rows[t], acc_sh.at[didx[t]], add=True)
                if with_counts:
                    pltpu.sync_copy(ones_v, cnt_sh.at[didx[t]], add=True)

        plsc.subcore_barrier()

        pltpu.sync_copy(acc_sh.at[pl.ds(base, ROWS_PER_SUB)],
                        acc_out.at[c, pl.ds(base, ROWS_PER_SUB)])
        if with_counts:
            pltpu.sync_copy(cnt_sh.at[pl.ds(base, ROWS_PER_SUB)],
                            cnt_out.at[c, pl.ds(base, ROWS_PER_SUB)])

    return sc_agg



def _k1_body(a0, a1, c0, c1, xr, wl, wr, b, h_out, stats):
    cnt = jnp.maximum(c0[:, :1] + c1[:, :1], 1.0)
    agg = (a0[...] + a1[...]) / cnt
    h = (lax.dot_general(agg, wl[...], (((1,), (1,)), ((), ())),
                         preferred_element_type=jnp.float32)
         + lax.dot_general(xr[...], wr[...], (((1,), (1,)), ((), ())),
                           preferred_element_type=jnp.float32)
         + b[...])
    h_out[...] = h

    @pl.when(pl.program_id(0) == 0)
    def _():
        stats[...] = jnp.zeros_like(stats)

    s1 = jnp.sum(h, axis=0, keepdims=True)
    s2 = jnp.sum(h * h, axis=0, keepdims=True)
    upd = jnp.concatenate([s1, s2, jnp.zeros((6, DH), jnp.float32)], axis=0)
    stats[...] = stats[...] + upd


def _k1_call(acc, c0, c1, x, Wl1, Wr1, b1):
    a = acc[:, :N]
    grid = (N // BLK,)
    return pl.pallas_call(
        _k1_body,
        grid=grid,
        in_specs=[
            pl.BlockSpec((BLK, DIN), lambda i: (i, 0)),
            pl.BlockSpec((BLK, DIN), lambda i: (i, 0)),
            pl.BlockSpec((BLK, CNTW), lambda i: (i, 0)),
            pl.BlockSpec((BLK, CNTW), lambda i: (i, 0)),
            pl.BlockSpec((BLK, DIN), lambda i: (i, 0)),
            pl.BlockSpec((DH, DIN), lambda i: (0, 0)),
            pl.BlockSpec((DH, DIN), lambda i: (0, 0)),
            pl.BlockSpec((1, DH), lambda i: (0, 0)),
        ],
        out_specs=[
            pl.BlockSpec((BLK, DH), lambda i: (i, 0)),
            pl.BlockSpec((8, DH), lambda i: (0, 0)),
        ],
        out_shape=[
            jax.ShapeDtypeStruct((N, DH), jnp.float32),
            jax.ShapeDtypeStruct((8, DH), jnp.float32),
        ],
    )(a[0], a[1], c0, c1, x, Wl1, Wr1, b1[None])



def _k2_body(h, stats, g, bt, wl2, wr2, b2, p_out, r_out):
    mu = stats[0:1] / N
    var = stats[1:2] / N - mu * mu
    rstd = lax.rsqrt(var + 1e-5)
    scale = g[...] * rstd
    shift = bt[...] - mu * scale
    hn = jnp.maximum(h[...] * scale + shift, 0.0)
    p_out[...] = lax.dot_general(hn, wl2[...], (((1,), (1,)), ((), ())),
                                 preferred_element_type=jnp.float32)
    r_out[...] = lax.dot_general(hn, wr2[...], (((1,), (1,)), ((), ())),
                                 preferred_element_type=jnp.float32) + b2[...]


def _k2_call(h, stats, gamma, beta, Wl2, Wr2, b2):
    grid = (N // BLK,)
    return pl.pallas_call(
        _k2_body,
        grid=grid,
        in_specs=[
            pl.BlockSpec((BLK, DH), lambda i: (i, 0)),
            pl.BlockSpec((8, DH), lambda i: (0, 0)),
            pl.BlockSpec((1, DH), lambda i: (0, 0)),
            pl.BlockSpec((1, DH), lambda i: (0, 0)),
            pl.BlockSpec((DOUT, DH), lambda i: (0, 0)),
            pl.BlockSpec((DOUT, DH), lambda i: (0, 0)),
            pl.BlockSpec((1, DOUT), lambda i: (0, 0)),
        ],
        out_specs=[
            pl.BlockSpec((BLK, DOUT), lambda i: (i, 0)),
            pl.BlockSpec((BLK, DOUT), lambda i: (i, 0)),
        ],
        out_shape=[
            jax.ShapeDtypeStruct((N, DOUT), jnp.float32),
            jax.ShapeDtypeStruct((N, DOUT), jnp.float32),
        ],
    )(h, stats, gamma[None], beta[None], Wl2, Wr2, b2[None])



def _k3_body(a0, a1, c0, c1, r2, out):
    cnt = jnp.maximum(c0[:, :1] + c1[:, :1], 1.0)
    out[...] = (a0[...] + a1[...]) / cnt + r2[...]


def _k3_call(acc2, c0, c1, r2):
    a = acc2[:, :N]
    grid = (N // BLK,)
    return pl.pallas_call(
        _k3_body,
        grid=grid,
        in_specs=[
            pl.BlockSpec((BLK, DOUT), lambda i: (i, 0)),
            pl.BlockSpec((BLK, DOUT), lambda i: (i, 0)),
            pl.BlockSpec((BLK, CNTW), lambda i: (i, 0)),
            pl.BlockSpec((BLK, CNTW), lambda i: (i, 0)),
            pl.BlockSpec((BLK, DOUT), lambda i: (i, 0)),
        ],
        out_specs=pl.BlockSpec((BLK, DOUT), lambda i: (i, 0)),
        out_shape=jax.ShapeDtypeStruct((N, DOUT), jnp.float32),
    )(a[0], a[1], c0, c1, r2)



def kernel(x, edge_index, Wl1, Wr1, b1, gamma, beta, Wl2, Wr2, b2):
    src = edge_index[0]
    dst = edge_index[1]
    pad = E_PAD - E
    src2 = jnp.concatenate([src, jnp.zeros((pad,), jnp.int32)]).reshape(-1, CHUNK)
    dst2 = jnp.concatenate([dst, jnp.full((pad,), N, jnp.int32)]).reshape(-1, CHUNK)

    zrow = jnp.zeros((N_PAD, DIN), jnp.float32)
    zcnt = jnp.zeros((N_PAD, CNTW), jnp.float32)
    ones = jnp.ones((CHUNK, CNTW), jnp.float32)

    acc1, cnt = _make_sc_agg(True)(x, src2, dst2, zrow, zcnt, ones)
    c0 = cnt[0, :N]
    c1 = cnt[1, :N]
    h_pre, stats = _k1_call(acc1, c0, c1, x, Wl1, Wr1, b1)
    p2, r2 = _k2_call(h_pre, stats, gamma, beta, Wl2, Wr2, b2)
    (acc2,) = _make_sc_agg(False)(p2, src2, dst2, zrow)
    return _k3_call(acc2, c0, c1, r2)

# --- scband reference (transcript-rebuilt; emitter-appended) ---
"""Pipeline reference for scband-graph-cp-65008624992319 (READ-ONLY COPY).

The authoritative reference and input builder live on the scoring server;
editing this copy changes nothing except your own understanding.
"""

import jax, jax.numpy as jnp
import numpy as np

N = 10000
E = 320000
DIN = 128
DH = 512
DOUT = 128


def setup_inputs(seed: int = 0) -> dict:
    key = jax.random.key(seed)
    ks = jax.random.split(key, 12)
    x = jax.random.normal(ks[0], (N, DIN), dtype=jnp.float32)
    edge_index = jax.random.randint(ks[1], (2, E), 0, N, dtype=jnp.int32)
    # SAGEConv layer 1: lin_l (on aggregated neighbors, with bias) and lin_r (root, no bias)
    Wl1 = jax.random.normal(ks[2], (DH, DIN), dtype=jnp.float32) * (1.0 / np.sqrt(DIN))
    Wr1 = jax.random.normal(ks[3], (DH, DIN), dtype=jnp.float32) * (1.0 / np.sqrt(DIN))
    b1 = jnp.zeros((DH,), dtype=jnp.float32)
    # BatchNorm over hidden channels
    gamma = jnp.ones((DH,), dtype=jnp.float32)
    beta = jnp.zeros((DH,), dtype=jnp.float32)
    # SAGEConv layer 2
    Wl2 = jax.random.normal(ks[4], (DOUT, DH), dtype=jnp.float32) * (1.0 / np.sqrt(DH))
    Wr2 = jax.random.normal(ks[5], (DOUT, DH), dtype=jnp.float32) * (1.0 / np.sqrt(DH))
    b2 = jnp.zeros((DOUT,), dtype=jnp.float32)
    return {"x": x, "edge_index": edge_index, "Wl1": Wl1, "Wr1": Wr1, "b1": b1,
            "gamma": gamma, "beta": beta, "Wl2": Wl2, "Wr2": Wr2, "b2": b2}


def reference(x, edge_index, Wl1, Wr1, b1, gamma, beta, Wl2, Wr2, b2):
    src = edge_index[0]
    dst = edge_index[1]

    def sage_conv(h, Wl, Wr, b):
        # mean aggregation of source-node features at destination nodes
        msgs = jnp.take(h, src, axis=0)
        summed = jax.ops.segment_sum(msgs, dst, num_segments=N)
        counts = jax.ops.segment_sum(jnp.ones((E,), dtype=jnp.float32), dst, num_segments=N)
        mean = summed / jnp.clip(counts, 1.0)[:, None]
        return mean @ Wl.T + h @ Wr.T + b

    # layer 1
    h = sage_conv(x, Wl1, Wr1, b1)
    # BatchNorm (batch statistics over nodes, training-style forward)
    mu = jnp.mean(h, axis=0)
    var = jnp.var(h, axis=0)
    h = (h - mu) / jnp.sqrt(var + 1e-5) * gamma + beta
    h = jax.nn.relu(h)
    # dropout is a no-op in eval / deterministic reference
    # layer 2
    out = sage_conv(h, Wl2, Wr2, b2)
    return out

if __name__ == "__main__":
    import jax
    _d = setup_inputs()
    print(jax.jit(kernel)(*tuple(_d.values())))

</pallas_src>

<mosaic_0001>
#map = affine_map<(d0, d1) -> (0, 0)>
#map1 = affine_map<(d0, d1) -> (0, 0, 0)>
module attributes {stable_mosaic.version = 14 : i64} {
  func.func @sc_agg(%arg0: i32, %arg1: i32, %arg2: memref<10000x128xf32, #tpu.memory_space<hbm>>, %arg3: memref<2528x128xi32, #tpu.memory_space<hbm>>, %arg4: memref<2528x128xi32, #tpu.memory_space<hbm>>, %arg5: memref<10240x128xf32, #tpu.memory_space<hbm>>, %arg6: memref<2x10240x128xf32, #tpu.memory_space<hbm>>, %arg7: memref<128xi32, #tpu.memory_space<vmem>>, %arg8: memref<128xi32, #tpu.memory_space<vmem>>, %arg9: memref<128x128xf32, #tpu.memory_space<vmem>>, %arg10: memref<10240x128xf32, #tpu.memory_space<vmem_shared>>, %arg11: memref<!tpu.dma_semaphore, #tpu.memory_space<semaphore_mem>>) attributes {dimension_semantics = [#tpu.dimension_semantics<core_parallel>, #tpu.dimension_semantics<subcore_parallel>], iteration_bounds = array<i64: 2, 16>, scalar_prefetch = 0 : i64, scratch_operands = 5 : i64, tpu.core_type = #tpu.core_type<sc_vector_subcore>, window_params = [{transform_indices = #map}, {transform_indices = #map}, {transform_indices = #map}, {transform_indices = #map}, {transform_indices = #map1}]} {
    %mul3A = arith.constant 16 : i32
    %mul3A_0 = arith.muli %arg0, %mul3A : i32
    %add3A = arith.addi %mul3A_0, %arg1 : i32
    %mul3A_1 = arith.constant 640 : i32
    %mul3A_2 = arith.muli %arg1, %mul3A_1 : i32
    "tpu.region"() ({
      %run_scoped3A = tpu.sem_alloc : memref<!tpu.dma_semaphore, #tpu.memory_space<semaphore_mem>>
      %dma_start3A = arith.constant 0 : i32
      %dma_start3A_8 = tpu.memref_slice %arg10[%mul3A_2, %dma_start3A] : memref<10240x128xf32, #tpu.memory_space<vmem_shared>> -> memref<640x128xf32, #tpu.memory_space<vmem_shared>>
      %dma_start3A_9 = arith.constant 0 : i32
      %dma_start3A_10 = tpu.memref_slice %arg5[%mul3A_2, %dma_start3A_9] : memref<10240x128xf32, #tpu.memory_space<hbm>> -> memref<640x128xf32, #tpu.memory_space<hbm>>
      tpu.enqueue_dma source(%dma_start3A_10 : memref<640x128xf32, #tpu.memory_space<hbm>>) target(%dma_start3A_8 : memref<640x128xf32, #tpu.memory_space<vmem_shared>>) target_semaphore(%run_scoped3A : memref<!tpu.dma_semaphore, #tpu.memory_space<semaphore_mem>>)
      %dma_wait3A = arith.constant 0 : i32
      %dma_wait3A_11 = tpu.memref_slice %arg10[%mul3A_2, %dma_wait3A] : memref<10240x128xf32, #tpu.memory_space<vmem_shared>> -> memref<640x128xf32, #tpu.memory_space<vmem_shared>>
      %dma_wait3A_12 = arith.constant 0 : i32
      %dma_wait3A_13 = tpu.memref_slice %arg5[%mul3A_2, %dma_wait3A_12] : memref<10240x128xf32, #tpu.memory_space<hbm>> -> memref<640x128xf32, #tpu.memory_space<hbm>>
      tpu.wait_dma2 semaphore(%run_scoped3A : memref<!tpu.dma_semaphore, #tpu.memory_space<semaphore_mem>>) src(%dma_wait3A_13 : memref<640x128xf32, #tpu.memory_space<hbm>>) dst(%dma_wait3A_11 : memref<640x128xf32, #tpu.memory_space<vmem_shared>>)
      tpu.yield
    }) : () -> ()
    %barrier3A = arith.constant 0 : index
    tpu.barrier barrier_id(%barrier3A)
    %scan3A = arith.constant 0 : i32
    %scan3A_3 = arith.constant 79 : i32
    %scan3A_4 = arith.addi %scan3A, %scan3A_3 : i32
    %scan3A_5 = arith.constant 1 : i32
    scf.for %scan3A_8 = %scan3A to %scan3A_4 step %scan3A_5  : i32 {
      %mul3A_9 = arith.constant 1 : i32
      %mul3A_10 = arith.muli %scan3A_8, %mul3A_9 : i32
      %add3A_11 = arith.constant 0 : i32
      %add3A_12 = arith.addi %add3A_11, %mul3A_10 : i32
      %mul3A_13 = arith.constant 79 : i32
      %mul3A_14 = arith.muli %add3A, %mul3A_13 : i32
      %mul3A_15 = arith.constant 1 : i32
      %mul3A_16 = arith.muli %add3A_12, %mul3A_15 : i32
      %add3A_17 = arith.addi %mul3A_14, %mul3A_16 : i32
      %add3A_18 = arith.constant 0 : i32
      %add3A_19 = arith.addi %add3A_17, %add3A_18 : i32
      "tpu.region"() ({
        %run_scoped3A = tpu.sem_alloc : memref<!tpu.dma_semaphore, #tpu.memory_space<semaphore_mem>>
        %dma_start3A_26 = arith.constant 0 : i32
        %dma_start3A_27 = tpu.memref_slice %arg3[%add3A_19, %dma_start3A_26] : memref<2528x128xi32, #tpu.memory_space<hbm>> -> memref<1x128xi32, #tpu.memory_space<hbm>>
        %dma_start3A_28 = tpu.memref_squeeze %dma_start3A_27 : memref<1x128xi32, #tpu.memory_space<hbm>> -> memref<128xi32, #tpu.memory_space<hbm>>
        %dma_start3A_29 = arith.constant 0 : i32
        %dma_start3A_30 = tpu.memref_slice %arg3[%add3A_19, %dma_start3A_29] : memref<2528x128xi32, #tpu.memory_space<hbm>> -> memref<1x128xi32, #tpu.memory_space<hbm>>
        %dma_start3A_31 = tpu.memref_squeeze %dma_start3A_30 : memref<1x128xi32, #tpu.memory_space<hbm>> -> memref<128xi32, #tpu.memory_space<hbm>>
        tpu.enqueue_dma source(%dma_start3A_31 : memref<128xi32, #tpu.memory_space<hbm>>) target(%arg7 : memref<128xi32, #tpu.memory_space<vmem>>) target_semaphore(%run_scoped3A : memref<!tpu.dma_semaphore, #tpu.memory_space<semaphore_mem>>)
        %dma_wait3A_32 = arith.constant 0 : i32
        %dma_wait3A_33 = tpu.memref_slice %arg3[%add3A_19, %dma_wait3A_32] : memref<2528x128xi32, #tpu.memory_space<hbm>> -> memref<1x128xi32, #tpu.memory_space<hbm>>
        %dma_wait3A_34 = tpu.memref_squeeze %dma_wait3A_33 : memref<1x128xi32, #tpu.memory_space<hbm>> -> memref<128xi32, #tpu.memory_space<hbm>>
        %dma_wait3A_35 = arith.constant 0 : i32
        %dma_wait3A_36 = tpu.memref_slice %arg3[%add3A_19, %dma_wait3A_35] : memref<2528x128xi32, #tpu.memory_space<hbm>> -> memref<1x128xi32, #tpu.memory_space<hbm>>
        %dma_wait3A_37 = tpu.memref_squeeze %dma_wait3A_36 : memref<1x128xi32, #tpu.memory_space<hbm>> -> memref<128xi32, #tpu.memory_space<hbm>>
        tpu.wait_dma2 semaphore(%run_scoped3A : memref<!tpu.dma_semaphore, #tpu.memory_space<semaphore_mem>>) src(%dma_wait3A_37 : memref<128xi32, #tpu.memory_space<hbm>>) dst(%arg7 : memref<128xi32, #tpu.memory_space<vmem>>)
        tpu.yield
      }) : () -> ()
      %add3A_20 = arith.constant 0 : i32
      %add3A_21 = arith.addi %add3A_17, %add3A_20 : i32
      "tpu.region"() ({
        %run_scoped3A = tpu.sem_alloc : memref<!tpu.dma_semaphore, #tpu.memory_space<semaphore_mem>>
        %dma_start3A_26 = arith.constant 0 : i32
        %dma_start3A_27 = tpu.memref_slice %arg4[%add3A_21, %dma_start3A_26] : memref<2528x128xi32, #tpu.memory_space<hbm>> -> memref<1x128xi32, #tpu.memory_space<hbm>>
        %dma_start3A_28 = tpu.memref_squeeze %dma_start3A_27 : memref<1x128xi32, #tpu.memory_space<hbm>> -> memref<128xi32, #tpu.memory_space<hbm>>
        %dma_start3A_29 = arith.constant 0 : i32
        %dma_start3A_30 = tpu.memref_slice %arg4[%add3A_21, %dma_start3A_29] : memref<2528x128xi32, #tpu.memory_space<hbm>> -> memref<1x128xi32, #tpu.memory_space<hbm>>
        %dma_start3A_31 = tpu.memref_squeeze %dma_start3A_30 : memref<1x128xi32, #tpu.memory_space<hbm>> -> memref<128xi32, #tpu.memory_space<hbm>>
        tpu.enqueue_dma source(%dma_start3A_31 : memref<128xi32, #tpu.memory_space<hbm>>) target(%arg8 : memref<128xi32, #tpu.memory_space<vmem>>) target_semaphore(%run_scoped3A : memref<!tpu.dma_semaphore, #tpu.memory_space<semaphore_mem>>)
        %dma_wait3A_32 = arith.constant 0 : i32
        %dma_wait3A_33 = tpu.memref_slice %arg4[%add3A_21, %dma_wait3A_32] : memref<2528x128xi32, #tpu.memory_space<hbm>> -> memref<1x128xi32, #tpu.memory_space<hbm>>
        %dma_wait3A_34 = tpu.memref_squeeze %dma_wait3A_33 : memref<1x128xi32, #tpu.memory_space<hbm>> -> memref<128xi32, #tpu.memory_space<hbm>>
        %dma_wait3A_35 = arith.constant 0 : i32
        %dma_wait3A_36 = tpu.memref_slice %arg4[%add3A_21, %dma_wait3A_35] : memref<2528x128xi32, #tpu.memory_space<hbm>> -> memref<1x128xi32, #tpu.memory_space<hbm>>
        %dma_wait3A_37 = tpu.memref_squeeze %dma_wait3A_36 : memref<1x128xi32, #tpu.memory_space<hbm>> -> memref<128xi32, #tpu.memory_space<hbm>>
        tpu.wait_dma2 semaphore(%run_scoped3A : memref<!tpu.dma_semaphore, #tpu.memory_space<semaphore_mem>>) src(%dma_wait3A_37 : memref<128xi32, #tpu.memory_space<hbm>>) dst(%arg8 : memref<128xi32, #tpu.memory_space<vmem>>)
        tpu.yield
      }) : () -> ()
      %dma_start3A = arith.constant 0 : i32
      %dma_start3A_22 = arith.constant 0 : i32
      %dma_start3A_23 = tpu.memref_slice %arg2[%dma_start3A, %dma_start3A_22] : memref<10000x128xf32, #tpu.memory_space<hbm>> -> memref<10000x128xf32, #tpu.memory_space<hbm>>
      tpu.enqueue_indirect_dma source(%dma_start3A_23 : memref<10000x128xf32, #tpu.memory_space<hbm>>) target(%arg9 : memref<128x128xf32, #tpu.memory_space<vmem>>) offsets(%arg7 : memref<128xi32, #tpu.memory_space<vmem>>) semaphore(%arg11 : memref<!tpu.dma_semaphore, #tpu.memory_space<semaphore_mem>>)
      %dma_wait3A = arith.constant 0 : i32
      %dma_wait3A_24 = arith.constant 0 : i32
      %dma_wait3A_25 = tpu.memref_slice %arg2[%dma_wait3A, %dma_wait3A_24] : memref<10000x128xf32, #tpu.memory_space<hbm>> -> memref<10000x128xf32, #tpu.memory_space<hbm>>
      tpu.wait_indirect_dma semaphore(%arg11 : memref<!tpu.dma_semaphore, #tpu.memory_space<semaphore_mem>>) src(%dma_wait3A_25 : memref<10000x128xf32, #tpu.memory_space<hbm>>) dst(%arg9 : memref<128x128xf32, #tpu.memory_space<vmem>>)
      "tpu.region"() ({
        %run_scoped3A = tpu.sem_alloc : memref<!tpu.dma_semaphore, #tpu.memory_space<semaphore_mem>>
        %dma_start3A_26 = arith.constant 0 : i32
        %dma_start3A_27 = arith.constant 0 : i32
        %dma_start3A_28 = tpu.memref_slice %arg10[%dma_start3A_26, %dma_start3A_27] : memref<10240x128xf32, #tpu.memory_space<vmem_shared>> -> memref<10240x128xf32, #tpu.memory_space<vmem_shared>>
        tpu.enqueue_indirect_dma source(%arg9 : memref<128x128xf32, #tpu.memory_space<vmem>>) target(%dma_start3A_28 : memref<10240x128xf32, #tpu.memory_space<vmem_shared>>) offsets(%arg8 : memref<128xi32, #tpu.memory_space<vmem>>) semaphore(%run_scoped3A : memref<!tpu.dma_semaphore, #tpu.memory_space<semaphore_mem>>) {add = true}
        %dma_wait3A_29 = arith.constant 0 : i32
        %dma_wait3A_30 = arith.constant 0 : i32
        %dma_wait3A_31 = tpu.memref_slice %arg10[%dma_wait3A_29, %dma_wait3A_30] : memref<10240x128xf32, #tpu.memory_space<vmem_shared>> -> memref<10240x128xf32, #tpu.memory_space<vmem_shared>>
        tpu.wait_indirect_dma semaphore(%run_scoped3A : memref<!tpu.dma_semaphore, #tpu.memory_space<semaphore_mem>>) src(%arg9 : memref<128x128xf32, #tpu.memory_space<vmem>>) dst(%dma_wait3A_31 : memref<10240x128xf32, #tpu.memory_space<vmem_shared>>)
        tpu.yield
      }) : () -> ()
    }
    %scan3A_6 = arith.constant 79 : i32
    %barrier3A_7 = arith.constant 0 : index
    tpu.barrier barrier_id(%barrier3A_7)
    "tpu.region"() ({
      %run_scoped3A = tpu.sem_alloc : memref<!tpu.dma_semaphore, #tpu.memory_space<semaphore_mem>>
      %dma_start3A = arith.constant 0 : i32
      %dma_start3A_8 = tpu.memref_slice %arg6[%arg0, %mul3A_2, %dma_start3A] : memref<2x10240x128xf32, #tpu.memory_space<hbm>> -> memref<1x640x128xf32, #tpu.memory_space<hbm>>
      %dma_start3A_9 = tpu.memref_squeeze %dma_start3A_8 : memref<1x640x128xf32, #tpu.memory_space<hbm>> -> memref<640x128xf32, #tpu.memory_space<hbm>>
      %dma_start3A_10 = arith.constant 0 : i32
      %dma_start3A_11 = tpu.memref_slice %arg10[%mul3A_2, %dma_start3A_10] : memref<10240x128xf32, #tpu.memory_space<vmem_shared>> -> memref<640x128xf32, #tpu.memory_space<vmem_shared>>
      tpu.enqueue_dma source(%dma_start3A_11 : memref<640x128xf32, #tpu.memory_space<vmem_shared>>) target(%dma_start3A_9 : memref<640x128xf32, #tpu.memory_space<hbm>>) target_semaphore(%run_scoped3A : memref<!tpu.dma_semaphore, #tpu.memory_space<semaphore_mem>>)
      %dma_wait3A = arith.constant 0 : i32
      %dma_wait3A_12 = tpu.memref_slice %arg6[%arg0, %mul3A_2, %dma_wait3A] : memref<2x10240x128xf32, #tpu.memory_space<hbm>> -> memref<1x640x128xf32, #tpu.memory_space<hbm>>
      %dma_wait3A_13 = tpu.memref_squeeze %dma_wait3A_12 : memref<1x640x128xf32, #tpu.memory_space<hbm>> -> memref<640x128xf32, #tpu.memory_space<hbm>>
      %dma_wait3A_14 = arith.constant 0 : i32
      %dma_wait3A_15 = tpu.memref_slice %arg10[%mul3A_2, %dma_wait3A_14] : memref<10240x128xf32, #tpu.memory_space<vmem_shared>> -> memref<640x128xf32, #tpu.memory_space<vmem_shared>>
      tpu.wait_dma2 semaphore(%run_scoped3A : memref<!tpu.dma_semaphore, #tpu.memory_space<semaphore_mem>>) src(%dma_wait3A_15 : memref<640x128xf32, #tpu.memory_space<vmem_shared>>) dst(%dma_wait3A_13 : memref<640x128xf32, #tpu.memory_space<hbm>>)
      tpu.yield
    }) : () -> ()
    return
  }
}

#map = affine_map<(d0, d1) -> (0, 0)>
#map1 = affine_map<(d0, d1) -> (0, 0, 0)>
module attributes {stable_mosaic.version = 14 : i64} {
  func.func @sc_agg(%arg0: i32, %arg1: i32, %arg2: memref<10000x128xf32, #tpu.memory_space<hbm>>, %arg3: memref<2528x128xi32, #tpu.memory_space<hbm>>, %arg4: memref<2528x128xi32, #tpu.memory_space<hbm>>, %arg5: memref<10240x128xf32, #tpu.memory_space<hbm>>, %arg6: memref<10240x16xf32, #tpu.memory_space<hbm>>, %arg7: memref<128x16xf32, #tpu.memory_space<hbm>>, %arg8: memref<2x10240x128xf32, #tpu.memory_space<hbm>>, %arg9: memref<2x10240x16xf32, #tpu.memory_space<hbm>>, %arg10: memref<128xi32, #tpu.memory_space<vmem>>, %arg11: memref<128xi32, #tpu.memory_space<vmem>>, %arg12: memref<128x128xf32, #tpu.memory_space<vmem>>, %arg13: memref<10240x128xf32, #tpu.memory_space<vmem_shared>>, %arg14: memref<!tpu.dma_semaphore, #tpu.memory_space<semaphore_mem>>, %arg15: memref<128x16xf32, #tpu.memory_space<vmem>>, %arg16: memref<10240x16xf32, #tpu.memory_space<vmem_shared>>) attributes {dimension_semantics = [#tpu.dimension_semantics<core_parallel>, #tpu.dimension_semantics<subcore_parallel>], iteration_bounds = array<i64: 2, 16>, scalar_prefetch = 0 : i64, scratch_operands = 7 : i64, tpu.core_type = #tpu.core_type<sc_vector_subcore>, window_params = [{transform_indices = #map}, {transform_indices = #map}, {transform_indices = #map}, {transform_indices = #map}, {transform_indices = #map}, {transform_indices = #map}, {transform_indices = #map1}, {transform_indices = #map1}]} {
    %mul3A = arith.constant 16 : i32
    %mul3A_0 = arith.muli %arg0, %mul3A : i32
    %add3A = arith.addi %mul3A_0, %arg1 : i32
    %mul3A_1 = arith.constant 640 : i32
    %mul3A_2 = arith.muli %arg1, %mul3A_1 : i32
    "tpu.region"() ({
      %run_scoped3A = tpu.sem_alloc : memref<!tpu.dma_semaphore, #tpu.memory_space<semaphore_mem>>
      %dma_start3A = arith.constant 0 : i32
      %dma_start3A_8 = tpu.memref_slice %arg13[%mul3A_2, %dma_start3A] : memref<10240x128xf32, #tpu.memory_space<vmem_shared>> -> memref<640x128xf32, #tpu.memory_space<vmem_shared>>
      %dma_start3A_9 = arith.constant 0 : i32
      %dma_start3A_10 = tpu.memref_slice %arg5[%mul3A_2, %dma_start3A_9] : memref<10240x128xf32, #tpu.memory_space<hbm>> -> memref<640x128xf32, #tpu.memory_space<hbm>>
      tpu.enqueue_dma source(%dma_start3A_10 : memref<640x128xf32, #tpu.memory_space<hbm>>) target(%dma_start3A_8 : memref<640x128xf32, #tpu.memory_space<vmem_shared>>) target_semaphore(%run_scoped3A : memref<!tpu.dma_semaphore, #tpu.memory_space<semaphore_mem>>)
      %dma_wait3A = arith.constant 0 : i32
      %dma_wait3A_11 = tpu.memref_slice %arg13[%mul3A_2, %dma_wait3A] : memref<10240x128xf32, #tpu.memory_space<vmem_shared>> -> memref<640x128xf32, #tpu.memory_space<vmem_shared>>
      %dma_wait3A_12 = arith.constant 0 : i32
      %dma_wait3A_13 = tpu.memref_slice %arg5[%mul3A_2, %dma_wait3A_12] : memref<10240x128xf32, #tpu.memory_space<hbm>> -> memref<640x128xf32, #tpu.memory_space<hbm>>
      tpu.wait_dma2 semaphore(%run_scoped3A : memref<!tpu.dma_semaphore, #tpu.memory_space<semaphore_mem>>) src(%dma_wait3A_13 : memref<640x128xf32, #tpu.memory_space<hbm>>) dst(%dma_wait3A_11 : memref<640x128xf32, #tpu.memory_space<vmem_shared>>)
      tpu.yield
    }) : () -> ()
    "tpu.region"() ({
      %run_scoped3A = tpu.sem_alloc : memref<!tpu.dma_semaphore, #tpu.memory_space<semaphore_mem>>
      %dma_start3A = arith.constant 0 : i32
      %dma_start3A_8 = tpu.memref_slice %arg16[%mul3A_2, %dma_start3A] : memref<10240x16xf32, #tpu.memory_space<vmem_shared>> -> memref<640x16xf32, #tpu.memory_space<vmem_shared>>
      %dma_start3A_9 = arith.constant 0 : i32
      %dma_start3A_10 = tpu.memref_slice %arg6[%mul3A_2, %dma_start3A_9] : memref<10240x16xf32, #tpu.memory_space<hbm>> -> memref<640x16xf32, #tpu.memory_space<hbm>>
      tpu.enqueue_dma source(%dma_start3A_10 : memref<640x16xf32, #tpu.memory_space<hbm>>) target(%dma_start3A_8 : memref<640x16xf32, #tpu.memory_space<vmem_shared>>) target_semaphore(%run_scoped3A : memref<!tpu.dma_semaphore, #tpu.memory_space<semaphore_mem>>)
      %dma_wait3A = arith.constant 0 : i32
      %dma_wait3A_11 = tpu.memref_slice %arg16[%mul3A_2, %dma_wait3A] : memref<10240x16xf32, #tpu.memory_space<vmem_shared>> -> memref<640x16xf32, #tpu.memory_space<vmem_shared>>
      %dma_wait3A_12 = arith.constant 0 : i32
      %dma_wait3A_13 = tpu.memref_slice %arg6[%mul3A_2, %dma_wait3A_12] : memref<10240x16xf32, #tpu.memory_space<hbm>> -> memref<640x16xf32, #tpu.memory_space<hbm>>
      tpu.wait_dma2 semaphore(%run_scoped3A : memref<!tpu.dma_semaphore, #tpu.memory_space<semaphore_mem>>) src(%dma_wait3A_13 : memref<640x16xf32, #tpu.memory_space<hbm>>) dst(%dma_wait3A_11 : memref<640x16xf32, #tpu.memory_space<vmem_shared>>)
      tpu.yield
    }) : () -> ()
    "tpu.region"() ({
      %run_scoped3A = tpu.sem_alloc : memref<!tpu.dma_semaphore, #tpu.memory_space<semaphore_mem>>
      tpu.enqueue_dma source(%arg7 : memref<128x16xf32, #tpu.memory_space<hbm>>) target(%arg15 : memref<128x16xf32, #tpu.memory_space<vmem>>) target_semaphore(%run_scoped3A : memref<!tpu.dma_semaphore, #tpu.memory_space<semaphore_mem>>)
      tpu.wait_dma2 semaphore(%run_scoped3A : memref<!tpu.dma_semaphore, #tpu.memory_space<semaphore_mem>>) src(%arg7 : memref<128x16xf32, #tpu.memory_space<hbm>>) dst(%arg15 : memref<128x16xf32, #tpu.memory_space<vmem>>)
      tpu.yield
    }) : () -> ()
    %barrier3A = arith.constant 0 : index
    tpu.barrier barrier_id(%barrier3A)
    %scan3A = arith.constant 0 : i32
    %scan3A_3 = arith.constant 79 : i32
    %scan3A_4 = arith.addi %scan3A, %scan3A_3 : i32
    %scan3A_5 = arith.constant 1 : i32
    scf.for %scan3A_8 = %scan3A to %scan3A_4 step %scan3A_5  : i32 {
      %mul3A_9 = arith.constant 1 : i32
      %mul3A_10 = arith.muli %scan3A_8, %mul3A_9 : i32
      %add3A_11 = arith.constant 0 : i32
      %add3A_12 = arith.addi %add3A_11, %mul3A_10 : i32
      %mul3A_13 = arith.constant 79 : i32
      %mul3A_14 = arith.muli %add3A, %mul3A_13 : i32
      %mul3A_15 = arith.constant 1 : i32
      %mul3A_16 = arith.muli %add3A_12, %mul3A_15 : i32
      %add3A_17 = arith.addi %mul3A_14, %mul3A_16 : i32
      %add3A_18 = arith.constant 0 : i32
      %add3A_19 = arith.addi %add3A_17, %add3A_18 : i32
      "tpu.region"() ({
        %run_scoped3A = tpu.sem_alloc : memref<!tpu.dma_semaphore, #tpu.memory_space<semaphore_mem>>
        %dma_start3A_26 = arith.constant 0 : i32
        %dma_start3A_27 = tpu.memref_slice %arg3[%add3A_19, %dma_start3A_26] : memref<2528x128xi32, #tpu.memory_space<hbm>> -> memref<1x128xi32, #tpu.memory_space<hbm>>
        %dma_start3A_28 = tpu.memref_squeeze %dma_start3A_27 : memref<1x128xi32, #tpu.memory_space<hbm>> -> memref<128xi32, #tpu.memory_space<hbm>>
        %dma_start3A_29 = arith.constant 0 : i32
        %dma_start3A_30 = tpu.memref_slice %arg3[%add3A_19, %dma_start3A_29] : memref<2528x128xi32, #tpu.memory_space<hbm>> -> memref<1x128xi32, #tpu.memory_space<hbm>>
        %dma_start3A_31 = tpu.memref_squeeze %dma_start3A_30 : memref<1x128xi32, #tpu.memory_space<hbm>> -> memref<128xi32, #tpu.memory_space<hbm>>
        tpu.enqueue_dma source(%dma_start3A_31 : memref<128xi32, #tpu.memory_space<hbm>>) target(%arg10 : memref<128xi32, #tpu.memory_space<vmem>>) target_semaphore(%run_scoped3A : memref<!tpu.dma_semaphore, #tpu.memory_space<semaphore_mem>>)
        %dma_wait3A_32 = arith.constant 0 : i32
        %dma_wait3A_33 = tpu.memref_slice %arg3[%add3A_19, %dma_wait3A_32] : memref<2528x128xi32, #tpu.memory_space<hbm>> -> memref<1x128xi32, #tpu.memory_space<hbm>>
        %dma_wait3A_34 = tpu.memref_squeeze %dma_wait3A_33 : memref<1x128xi32, #tpu.memory_space<hbm>> -> memref<128xi32, #tpu.memory_space<hbm>>
        %dma_wait3A_35 = arith.constant 0 : i32
        %dma_wait3A_36 = tpu.memref_slice %arg3[%add3A_19, %dma_wait3A_35] : memref<2528x128xi32, #tpu.memory_space<hbm>> -> memref<1x128xi32, #tpu.memory_space<hbm>>
        %dma_wait3A_37 = tpu.memref_squeeze %dma_wait3A_36 : memref<1x128xi32, #tpu.memory_space<hbm>> -> memref<128xi32, #tpu.memory_space<hbm>>
        tpu.wait_dma2 semaphore(%run_scoped3A : memref<!tpu.dma_semaphore, #tpu.memory_space<semaphore_mem>>) src(%dma_wait3A_37 : memref<128xi32, #tpu.memory_space<hbm>>) dst(%arg10 : memref<128xi32, #tpu.memory_space<vmem>>)
        tpu.yield
      }) : () -> ()
      %add3A_20 = arith.constant 0 : i32
      %add3A_21 = arith.addi %add3A_17, %add3A_20 : i32
      "tpu.region"() ({
        %run_scoped3A = tpu.sem_alloc : memref<!tpu.dma_semaphore, #tpu.memory_space<semaphore_mem>>
        %dma_start3A_26 = arith.constant 0 : i32
        %dma_start3A_27 = tpu.memref_slice %arg4[%add3A_21, %dma_start3A_26] : memref<2528x128xi32, #tpu.memory_space<hbm>> -> memref<1x128xi32, #tpu.memory_space<hbm>>
        %dma_start3A_28 = tpu.memref_squeeze %dma_start3A_27 : memref<1x128xi32, #tpu.memory_space<hbm>> -> memref<128xi32, #tpu.memory_space<hbm>>
        %dma_start3A_29 = arith.constant 0 : i32
        %dma_start3A_30 = tpu.memref_slice %arg4[%add3A_21, %dma_start3A_29] : memref<2528x128xi32, #tpu.memory_space<hbm>> -> memref<1x128xi32, #tpu.memory_space<hbm>>
        %dma_start3A_31 = tpu.memref_squeeze %dma_start3A_30 : memref<1x128xi32, #tpu.memory_space<hbm>> -> memref<128xi32, #tpu.memory_space<hbm>>
        tpu.enqueue_dma source(%dma_start3A_31 : memref<128xi32, #tpu.memory_space<hbm>>) target(%arg11 : memref<128xi32, #tpu.memory_space<vmem>>) target_semaphore(%run_scoped3A : memref<!tpu.dma_semaphore, #tpu.memory_space<semaphore_mem>>)
        %dma_wait3A_32 = arith.constant 0 : i32
        %dma_wait3A_33 = tpu.memref_slice %arg4[%add3A_21, %dma_wait3A_32] : memref<2528x128xi32, #tpu.memory_space<hbm>> -> memref<1x128xi32, #tpu.memory_space<hbm>>
        %dma_wait3A_34 = tpu.memref_squeeze %dma_wait3A_33 : memref<1x128xi32, #tpu.memory_space<hbm>> -> memref<128xi32, #tpu.memory_space<hbm>>
        %dma_wait3A_35 = arith.constant 0 : i32
        %dma_wait3A_36 = tpu.memref_slice %arg4[%add3A_21, %dma_wait3A_35] : memref<2528x128xi32, #tpu.memory_space<hbm>> -> memref<1x128xi32, #tpu.memory_space<hbm>>
        %dma_wait3A_37 = tpu.memref_squeeze %dma_wait3A_36 : memref<1x128xi32, #tpu.memory_space<hbm>> -> memref<128xi32, #tpu.memory_space<hbm>>
        tpu.wait_dma2 semaphore(%run_scoped3A : memref<!tpu.dma_semaphore, #tpu.memory_space<semaphore_mem>>) src(%dma_wait3A_37 : memref<128xi32, #tpu.memory_space<hbm>>) dst(%arg11 : memref<128xi32, #tpu.memory_space<vmem>>)
        tpu.yield
      }) : () -> ()
      %dma_start3A = arith.constant 0 : i32
      %dma_start3A_22 = arith.constant 0 : i32
      %dma_start3A_23 = tpu.memref_slice %arg2[%dma_start3A, %dma_start3A_22] : memref<10000x128xf32, #tpu.memory_space<hbm>> -> memref<10000x128xf32, #tpu.memory_space<hbm>>
      tpu.enqueue_indirect_dma source(%dma_start3A_23 : memref<10000x128xf32, #tpu.memory_space<hbm>>) target(%arg12 : memref<128x128xf32, #tpu.memory_space<vmem>>) offsets(%arg10 : memref<128xi32, #tpu.memory_space<vmem>>) semaphore(%arg14 : memref<!tpu.dma_semaphore, #tpu.memory_space<semaphore_mem>>)
      %dma_wait3A = arith.constant 0 : i32
      %dma_wait3A_24 = arith.constant 0 : i32
      %dma_wait3A_25 = tpu.memref_slice %arg2[%dma_wait3A, %dma_wait3A_24] : memref<10000x128xf32, #tpu.memory_space<hbm>> -> memref<10000x128xf32, #tpu.memory_space<hbm>>
      tpu.wait_indirect_dma semaphore(%arg14 : memref<!tpu.dma_semaphore, #tpu.memory_space<semaphore_mem>>) src(%dma_wait3A_25 : memref<10000x128xf32, #tpu.memory_space<hbm>>) dst(%arg12 : memref<128x128xf32, #tpu.memory_space<vmem>>)
      "tpu.region"() ({
        %run_scoped3A = tpu.sem_alloc : memref<!tpu.dma_semaphore, #tpu.memory_space<semaphore_mem>>
        %dma_start3A_26 = arith.constant 0 : i32
        %dma_start3A_27 = arith.constant 0 : i32
        %dma_start3A_28 = tpu.memref_slice %arg13[%dma_start3A_26, %dma_start3A_27] : memref<10240x128xf32, #tpu.memory_space<vmem_shared>> -> memref<10240x128xf32, #tpu.memory_space<vmem_shared>>
        tpu.enqueue_indirect_dma source(%arg12 : memref<128x128xf32, #tpu.memory_space<vmem>>) target(%dma_start3A_28 : memref<10240x128xf32, #tpu.memory_space<vmem_shared>>) offsets(%arg11 : memref<128xi32, #tpu.memory_space<vmem>>) semaphore(%run_scoped3A : memref<!tpu.dma_semaphore, #tpu.memory_space<semaphore_mem>>) {add = true}
        %dma_wait3A_29 = arith.constant 0 : i32
        %dma_wait3A_30 = arith.constant 0 : i32
        %dma_wait3A_31 = tpu.memref_slice %arg13[%dma_wait3A_29, %dma_wait3A_30] : memref<10240x128xf32, #tpu.memory_space<vmem_shared>> -> memref<10240x128xf32, #tpu.memory_space<vmem_shared>>
        tpu.wait_indirect_dma semaphore(%run_scoped3A : memref<!tpu.dma_semaphore, #tpu.memory_space<semaphore_mem>>) src(%arg12 : memref<128x128xf32, #tpu.memory_space<vmem>>) dst(%dma_wait3A_31 : memref<10240x128xf32, #tpu.memory_space<vmem_shared>>)
        tpu.yield
      }) : () -> ()
      "tpu.region"() ({
        %run_scoped3A = tpu.sem_alloc : memref<!tpu.dma_semaphore, #tpu.memory_space<semaphore_mem>>
        %dma_start3A_26 = arith.constant 0 : i32
        %dma_start3A_27 = arith.constant 0 : i32
        %dma_start3A_28 = tpu.memref_slice %arg16[%dma_start3A_26, %dma_start3A_27] : memref<10240x16xf32, #tpu.memory_space<vmem_shared>> -> memref<10240x16xf32, #tpu.memory_space<vmem_shared>>
        tpu.enqueue_indirect_dma source(%arg15 : memref<128x16xf32, #tpu.memory_space<vmem>>) target(%dma_start3A_28 : memref<10240x16xf32, #tpu.memory_space<vmem_shared>>) offsets(%arg11 : memref<128xi32, #tpu.memory_space<vmem>>) semaphore(%run_scoped3A : memref<!tpu.dma_semaphore, #tpu.memory_space<semaphore_mem>>) {add = true}
        %dma_wait3A_29 = arith.constant 0 : i32
        %dma_wait3A_30 = arith.constant 0 : i32
        %dma_wait3A_31 = tpu.memref_slice %arg16[%dma_wait3A_29, %dma_wait3A_30] : memref<10240x16xf32, #tpu.memory_space<vmem_shared>> -> memref<10240x16xf32, #tpu.memory_space<vmem_shared>>
        tpu.wait_indirect_dma semaphore(%run_scoped3A : memref<!tpu.dma_semaphore, #tpu.memory_space<semaphore_mem>>) src(%arg15 : memref<128x16xf32, #tpu.memory_space<vmem>>) dst(%dma_wait3A_31 : memref<10240x16xf32, #tpu.memory_space<vmem_shared>>)
        tpu.yield
      }) : () -> ()
    }
    %scan3A_6 = arith.constant 79 : i32
    %barrier3A_7 = arith.constant 0 : index
    tpu.barrier barrier_id(%barrier3A_7)
    "tpu.region"() ({
      %run_scoped3A = tpu.sem_alloc : memref<!tpu.dma_semaphore, #tpu.memory_space<semaphore_mem>>
      %dma_start3A = arith.constant 0 : i32
      %dma_start3A_8 = tpu.memref_slice %arg8[%arg0, %mul3A_2, %dma_start3A] : memref<2x10240x128xf32, #tpu.memory_space<hbm>> -> memref<1x640x128xf32, #tpu.memory_space<hbm>>
      %dma_start3A_9 = tpu.memref_squeeze %dma_start3A_8 : memref<1x640x128xf32, #tpu.memory_space<hbm>> -> memref<640x128xf32, #tpu.memory_space<hbm>>
      %dma_start3A_10 = arith.constant 0 : i32
      %dma_start3A_11 = tpu.memref_slice %arg13[%mul3A_2, %dma_start3A_10] : memref<10240x128xf32, #tpu.memory_space<vmem_shared>> -> memref<640x128xf32, #tpu.memory_space<vmem_shared>>
      tpu.enqueue_dma source(%dma_start3A_11 : memref<640x128xf32, #tpu.memory_space<vmem_shared>>) target(%dma_start3A_9 : memref<640x128xf32, #tpu.memory_space<hbm>>) target_semaphore(%run_scoped3A : memref<!tpu.dma_semaphore, #tpu.memory_space<semaphore_mem>>)
      %dma_wait3A = arith.constant 0 : i32
      %dma_wait3A_12 = tpu.memref_slice %arg8[%arg0, %mul3A_2, %dma_wait3A] : memref<2x10240x128xf32, #tpu.memory_space<hbm>> -> memref<1x640x128xf32, #tpu.memory_space<hbm>>
      %dma_wait3A_13 = tpu.memref_squeeze %dma_wait3A_12 : memref<1x640x128xf32, #tpu.memory_space<hbm>> -> memref<640x128xf32, #tpu.memory_space<hbm>>
      %dma_wait3A_14 = arith.constant 0 : i32
      %dma_wait3A_15 = tpu.memref_slice %arg13[%mul3A_2, %dma_wait3A_14] : memref<10240x128xf32, #tpu.memory_space<vmem_shared>> -> memref<640x128xf32, #tpu.memory_space<vmem_shared>>
      tpu.wait_dma2 semaphore(%run_scoped3A : memref<!tpu.dma_semaphore, #tpu.memory_space<semaphore_mem>>) src(%dma_wait3A_15 : memref<640x128xf32, #tpu.memory_space<vmem_shared>>) dst(%dma_wait3A_13 : memref<640x128xf32, #tpu.memory_space<hbm>>)
      tpu.yield
    }) : () -> ()
    "tpu.region"() ({
      %run_scoped3A = tpu.sem_alloc : memref<!tpu.dma_semaphore, #tpu.memory_space<semaphore_mem>>
      %dma_start3A = arith.constant 0 : i32
      %dma_start3A_8 = tpu.memref_slice %arg9[%arg0, %mul3A_2, %dma_start3A] : memref<2x10240x16xf32, #tpu.memory_space<hbm>> -> memref<1x640x16xf32, #tpu.memory_space<hbm>>
      %dma_start3A_9 = tpu.memref_squeeze %dma_start3A_8 : memref<1x640x16xf32, #tpu.memory_space<hbm>> -> memref<640x16xf32, #tpu.memory_space<hbm>>
      %dma_start3A_10 = arith.constant 0 : i32
      %dma_start3A_11 = tpu.memref_slice %arg16[%mul3A_2, %dma_start3A_10] : memref<10240x16xf32, #tpu.memory_space<vmem_shared>> -> memref<640x16xf32, #tpu.memory_space<vmem_shared>>
      tpu.enqueue_dma source(%dma_start3A_11 : memref<640x16xf32, #tpu.memory_space<vmem_shared>>) target(%dma_start3A_9 : memref<640x16xf32, #tpu.memory_space<hbm>>) target_semaphore(%run_scoped3A : memref<!tpu.dma_semaphore, #tpu.memory_space<semaphore_mem>>)
      %dma_wait3A = arith.constant 0 : i32
      %dma_wait3A_12 = tpu.memref_slice %arg9[%arg0, %mul3A_2, %dma_wait3A] : memref<2x10240x16xf32, #tpu.memory_space<hbm>> -> memref<1x640x16xf32, #tpu.memory_space<hbm>>
      %dma_wait3A_13 = tpu.memref_squeeze %dma_wait3A_12 : memref<1x640x16xf32, #tpu.memory_space<hbm>> -> memref<640x16xf32, #tpu.memory_space<hbm>>
      %dma_wait3A_14 = arith.constant 0 : i32
      %dma_wait3A_15 = tpu.memref_slice %arg16[%mul3A_2, %dma_wait3A_14] : memref<10240x16xf32, #tpu.memory_space<vmem_shared>> -> memref<640x16xf32, #tpu.memory_space<vmem_shared>>
      tpu.wait_dma2 semaphore(%run_scoped3A : memref<!tpu.dma_semaphore, #tpu.memory_space<semaphore_mem>>) src(%dma_wait3A_15 : memref<640x16xf32, #tpu.memory_space<vmem_shared>>) dst(%dma_wait3A_13 : memref<640x16xf32, #tpu.memory_space<hbm>>)
      tpu.yield
    }) : () -> ()
    return
  }
}

module attributes {stable_mosaic.version = 14 : i64} {
  func.func @_k1_body(%arg0: i32, %arg1: memref<2000x128xf32, #tpu.memory_space<vmem>>, %arg2: memref<2000x128xf32, #tpu.memory_space<vmem>>, %arg3: memref<2000x16xf32, #tpu.memory_space<vmem>>, %arg4: memref<2000x16xf32, #tpu.memory_space<vmem>>, %arg5: memref<2000x128xf32, #tpu.memory_space<vmem>>, %arg6: memref<512x128xf32, #tpu.memory_space<vmem>>, %arg7: memref<512x128xf32, #tpu.memory_space<vmem>>, %arg8: memref<1x512xf32, #tpu.memory_space<vmem>>, %arg9: memref<2000x512xf32, #tpu.memory_space<vmem>>, %arg10: memref<8x512xf32, #tpu.memory_space<vmem>>) attributes {dimension_semantics = [#tpu.dimension_semantics<arbitrary>], iteration_bounds = array<i64: 5>, scalar_prefetch = 0 : i64, scratch_operands = 0 : i64, tpu.core_type = #tpu.core_type<tc>, window_params = [{transform_indices = @transform_0, window_bounds = array<i64: 2000, 128>}, {transform_indices = @transform_1, window_bounds = array<i64: 2000, 128>}, {transform_indices = @transform_2, window_bounds = array<i64: 2000, 16>}, {transform_indices = @transform_3, window_bounds = array<i64: 2000, 16>}, {transform_indices = @transform_4, window_bounds = array<i64: 2000, 128>}, {pipeline_mode = #tpu.pipeline_mode<synchronous>, transform_indices = @transform_5, window_bounds = array<i64: 512, 128>}, {pipeline_mode = #tpu.pipeline_mode<synchronous>, transform_indices = @transform_6, window_bounds = array<i64: 512, 128>}, {pipeline_mode = #tpu.pipeline_mode<synchronous>, transform_indices = @transform_7, window_bounds = array<i64: 1, 512>}, {transform_indices = @transform_8, window_bounds = array<i64: 2000, 512>}, {pipeline_mode = #tpu.pipeline_mode<synchronous>, transform_indices = @transform_9, window_bounds = array<i64: 8, 512>}]} {
    %get3A = arith.constant 0 : index
    %get3A_0 = arith.constant 0 : index
    %get3A_1 = vector.load %arg3[%get3A, %get3A_0] : memref<2000x16xf32, #tpu.memory_space<vmem>>, vector<2000x1xf32>
    %get3A_2 = arith.constant 0 : index
    %get3A_3 = arith.constant 0 : index
    %get3A_4 = vector.load %arg4[%get3A_2, %get3A_3] : memref<2000x16xf32, #tpu.memory_space<vmem>>, vector<2000x1xf32>
    %add3A = arith.addf %get3A_1, %get3A_4 : vector<2000x1xf32>
    %max3A = arith.constant 1.000000e+00 : f32
    %max3A_5 = vector.broadcast %max3A : f32 to vector<2000x1xf32>
    %max3A_6 = arith.maximumf %add3A, %max3A_5 : vector<2000x1xf32>
    %get3A_7 = arith.constant 0 : index
    %get3A_8 = arith.constant 0 : index
    %get3A_9 = vector.load %arg1[%get3A_7, %get3A_8] : memref<2000x128xf32, #tpu.memory_space<vmem>>, vector<2000x128xf32>
    %get3A_10 = arith.constant 0 : index
    %get3A_11 = arith.constant 0 : index
    %get3A_12 = vector.load %arg2[%get3A_10, %get3A_11] : memref<2000x128xf32, #tpu.memory_space<vmem>>, vector<2000x128xf32>
    %add3A_13 = arith.addf %get3A_9, %get3A_12 : vector<2000x128xf32>
    %div3A = vector.broadcast %max3A_6 : vector<2000x1xf32> to vector<2000x128xf32>
    %div3A_14 = arith.divf %add3A_13, %div3A : vector<2000x128xf32>
    %get3A_15 = arith.constant 0 : index
    %get3A_16 = arith.constant 0 : index
    %get3A_17 = vector.load %arg6[%get3A_15, %get3A_16] : memref<512x128xf32, #tpu.memory_space<vmem>>, vector<512x128xf32>
    %dot_general3A = arith.constant dense<0.000000e+00> : vector<2000x512xf32>
    %dot_general3A_18 = tpu.matmul %div3A_14, %get3A_17, %dot_general3A {dimension_numbers = #tpu.dot_dimension_numbers<[1], [1], [0], [0], [0, 0, 1, 0], [], []>, transpose_lhs_hint = false} : vector<2000x128xf32>, vector<512x128xf32>, vector<2000x512xf32> -> vector<2000x512xf32>
    %get3A_19 = arith.constant 0 : index
    %get3A_20 = arith.constant 0 : index
    %get3A_21 = vector.load %arg5[%get3A_19, %get3A_20] : memref<2000x128xf32, #tpu.memory_space<vmem>>, vector<2000x128xf32>
    %get3A_22 = arith.constant 0 : index
    %get3A_23 = arith.constant 0 : index
    %get3A_24 = vector.load %arg7[%get3A_22, %get3A_23] : memref<512x128xf32, #tpu.memory_space<vmem>>, vector<512x128xf32>
    %dot_general3A_25 = arith.constant dense<0.000000e+00> : vector<2000x512xf32>
    %dot_general3A_26 = tpu.matmul %get3A_21, %get3A_24, %dot_general3A_25 {dimension_numbers = #tpu.dot_dimension_numbers<[1], [1], [0], [0], [0, 0, 1, 0], [], []>, transpose_lhs_hint = false} : vector<2000x128xf32>, vector<512x128xf32>, vector<2000x512xf32> -> vector<2000x512xf32>
    %add3A_27 = arith.addf %dot_general3A_18, %dot_general3A_26 : vector<2000x512xf32>
    %get3A_28 = arith.constant 0 : index
    %get3A_29 = arith.constant 0 : index
    %get3A_30 = vector.load %arg8[%get3A_28, %get3A_29] : memref<1x512xf32, #tpu.memory_space<vmem>>, vector<1x512xf32>
    %add3A_31 = vector.broadcast %get3A_30 : vector<1x512xf32> to vector<2000x512xf32>
    %add3A_32 = arith.addf %add3A_27, %add3A_31 : vector<2000x512xf32>
    %swap3A = arith.constant 0 : index
    %swap3A_33 = arith.constant 0 : index
    %swap3A_34 = vector.load %arg9[%swap3A, %swap3A_33] : memref<2000x512xf32, #tpu.memory_space<vmem>>, vector<2000x512xf32>
    tpu.vector_store %arg9[%swap3A, %swap3A_33], %add3A_32 {strides = array<i32>} : memref<2000x512xf32, #tpu.memory_space<vmem>>, vector<2000x512xf32>,
    %eq3A = arith.constant 0 : i32
    %eq3A_35 = arith.cmpi eq, %arg0, %eq3A : i32
    %convert_element_type3A = arith.extui %eq3A_35 : i1 to i32
    %cond3A = arith.constant 0 : i32
    %cond3A_36 = arith.cmpi ne, %convert_element_type3A, %cond3A : i32
    scf.if %cond3A_36 {
      %broadcast_in_dim3A_50 = arith.constant 0.000000e+00 : f32
      %broadcast_in_dim3A_51 = vector.broadcast %broadcast_in_dim3A_50 : f32 to vector<8x512xf32>
      %swap3A_52 = arith.constant 0 : index
      %swap3A_53 = arith.constant 0 : index
      %swap3A_54 = vector.load %arg10[%swap3A_52, %swap3A_53] : memref<8x512xf32, #tpu.memory_space<vmem>>, vector<8x512xf32>
      tpu.vector_store %arg10[%swap3A_52, %swap3A_53], %broadcast_in_dim3A_51 {strides = array<i32>} : memref<8x512xf32, #tpu.memory_space<vmem>>, vector<8x512xf32>,
    } else {
    }
    %reduce_sum3A = arith.constant dense<0.000000e+00> : vector<512xf32>
    %reduce_sum3A_37 = vector.multi_reduction <add>, %add3A_32, %reduce_sum3A [0] : vector<2000x512xf32> to vector<512xf32>
    %broadcast_in_dim3A = vector.shape_cast %reduce_sum3A_37 : vector<512xf32> to vector<1x512xf32>
    %mul3A = arith.mulf %add3A_32, %add3A_32 : vector<2000x512xf32>
    %reduce_sum3A_38 = arith.constant dense<0.000000e+00> : vector<512xf32>
    %reduce_sum3A_39 = vector.multi_reduction <add>, %mul3A, %reduce_sum3A_38 [0] : vector<2000x512xf32> to vector<512xf32>
    %broadcast_in_dim3A_40 = vector.shape_cast %reduce_sum3A_39 : vector<512xf32> to vector<1x512xf32>
    %broadcast_in_dim3A_41 = arith.constant 0.000000e+00 : f32
    %broadcast_in_dim3A_42 = vector.broadcast %broadcast_in_dim3A_41 : f32 to vector<6x512xf32>
    %concatenate3A = tpu.concatenate %broadcast_in_dim3A, %broadcast_in_dim3A_40, %broadcast_in_dim3A_42 in 0 : vector<1x512xf32>, vector<1x512xf32>, vector<6x512xf32> -> vector<8x512xf32>
    %get3A_43 = arith.constant 0 : index
    %get3A_44 = arith.constant 0 : index
    %get3A_45 = vector.load %arg10[%get3A_43, %get3A_44] : memref<8x512xf32, #tpu.memory_space<vmem>>, vector<8x512xf32>
    %add3A_46 = arith.addf %get3A_45, %concatenate3A : vector<8x512xf32>
    %swap3A_47 = arith.constant 0 : index
    %swap3A_48 = arith.constant 0 : index
    %swap3A_49 = vector.load %arg10[%swap3A_47, %swap3A_48] : memref<8x512xf32, #tpu.memory_space<vmem>>, vector<8x512xf32>
    tpu.vector_store %arg10[%swap3A_47, %swap3A_48], %add3A_46 {strides = array<i32>} : memref<8x512xf32, #tpu.memory_space<vmem>>, vector<8x512xf32>,
    return
  }
  func.func @transform_0(%arg0: i32) -> (i32, i32) {
    %c0_i32 = arith.constant 0 : i32
    %c0_i32_0 = arith.constant 0 : i32
    return %arg0, %c0_i32 : i32, i32
  }
  func.func @transform_1(%arg0: i32) -> (i32, i32) {
    %c0_i32 = arith.constant 0 : i32
    %c0_i32_0 = arith.constant 0 : i32
    return %arg0, %c0_i32 : i32, i32
  }
  func.func @transform_2(%arg0: i32) -> (i32, i32) {
    %c0_i32 = arith.constant 0 : i32
    %c0_i32_0 = arith.constant 0 : i32
    return %arg0, %c0_i32 : i32, i32
  }
  func.func @transform_3(%arg0: i32) -> (i32, i32) {
    %c0_i32 = arith.constant 0 : i32
    %c0_i32_0 = arith.constant 0 : i32
    return %arg0, %c0_i32 : i32, i32
  }
  func.func @transform_4(%arg0: i32) -> (i32, i32) {
    %c0_i32 = arith.constant 0 : i32
    %c0_i32_0 = arith.constant 0 : i32
    return %arg0, %c0_i32 : i32, i32
  }
  func.func @transform_5(%arg0: i32) -> (i32, i32) {
    %c0_i32 = arith.constant 0 : i32
    %c0_i32_0 = arith.constant 0 : i32
    %c0_i32_1 = arith.constant 0 : i32
    return %c0_i32, %c0_i32_0 : i32, i32
  }
  func.func @transform_6(%arg0: i32) -> (i32, i32) {
    %c0_i32 = arith.constant 0 : i32
    %c0_i32_0 = arith.constant 0 : i32
    %c0_i32_1 = arith.constant 0 : i32
    return %c0_i32, %c0_i32_0 : i32, i32
  }
  func.func @transform_7(%arg0: i32) -> (i32, i32) {
    %c0_i32 = arith.constant 0 : i32
    %c0_i32_0 = arith.constant 0 : i32
    %c0_i32_1 = arith.constant 0 : i32
    return %c0_i32, %c0_i32_0 : i32, i32
  }
  func.func @transform_8(%arg0: i32) -> (i32, i32) {
    %c0_i32 = arith.constant 0 : i32
    %c0_i32_0 = arith.constant 0 : i32
    return %arg0, %c0_i32 : i32, i32
  }
  func.func @transform_9(%arg0: i32) -> (i32, i32) {
    %c0_i32 = arith.constant 0 : i32
    %c0_i32_0 = arith.constant 0 : i32
    %c0_i32_1 = arith.constant 0 : i32
    return %c0_i32, %c0_i32_0 : i32, i32
  }
}

module attributes {stable_mosaic.version = 14 : i64} {
  func.func @_k2_body(%arg0: i32, %arg1: memref<2000x512xf32, #tpu.memory_space<vmem>>, %arg2: memref<8x512xf32, #tpu.memory_space<vmem>>, %arg3: memref<1x512xf32, #tpu.memory_space<vmem>>, %arg4: memref<1x512xf32, #tpu.memory_space<vmem>>, %arg5: memref<128x512xf32, #tpu.memory_space<vmem>>, %arg6: memref<128x512xf32, #tpu.memory_space<vmem>>, %arg7: memref<1x128xf32, #tpu.memory_space<vmem>>, %arg8: memref<2000x128xf32, #tpu.memory_space<vmem>>, %arg9: memref<2000x128xf32, #tpu.memory_space<vmem>>) attributes {dimension_semantics = [#tpu.dimension_semantics<arbitrary>], iteration_bounds = array<i64: 5>, scalar_prefetch = 0 : i64, scratch_operands = 0 : i64, tpu.core_type = #tpu.core_type<tc>, window_params = [{transform_indices = @transform_0, window_bounds = array<i64: 2000, 512>}, {pipeline_mode = #tpu.pipeline_mode<synchronous>, transform_indices = @transform_1, window_bounds = array<i64: 8, 512>}, {pipeline_mode = #tpu.pipeline_mode<synchronous>, transform_indices = @transform_2, window_bounds = array<i64: 1, 512>}, {pipeline_mode = #tpu.pipeline_mode<synchronous>, transform_indices = @transform_3, window_bounds = array<i64: 1, 512>}, {pipeline_mode = #tpu.pipeline_mode<synchronous>, transform_indices = @transform_4, window_bounds = array<i64: 128, 512>}, {pipeline_mode = #tpu.pipeline_mode<synchronous>, transform_indices = @transform_5, window_bounds = array<i64: 128, 512>}, {pipeline_mode = #tpu.pipeline_mode<synchronous>, transform_indices = @transform_6, window_bounds = array<i64: 1, 128>}, {transform_indices = @transform_7, window_bounds = array<i64: 2000, 128>}, {transform_indices = @transform_8, window_bounds = array<i64: 2000, 128>}]} {
    %get3A = arith.constant 0 : index
    %get3A_0 = arith.constant 0 : index
    %get3A_1 = vector.load %arg2[%get3A, %get3A_0] : memref<8x512xf32, #tpu.memory_space<vmem>>, vector<1x512xf32>
    %div3A = arith.constant 1.000000e+04 : f32
    %div3A_2 = vector.broadcast %div3A : f32 to vector<1x512xf32>
    %div3A_3 = arith.divf %get3A_1, %div3A_2 : vector<1x512xf32>
    %get3A_4 = arith.constant 1 : index
    %get3A_5 = arith.constant 0 : index
    %get3A_6 = vector.load %arg2[%get3A_4, %get3A_5] : memref<8x512xf32, #tpu.memory_space<vmem>>, vector<1x512xf32>
    %div3A_7 = arith.constant 1.000000e+04 : f32
    %div3A_8 = vector.broadcast %div3A_7 : f32 to vector<1x512xf32>
    %div3A_9 = arith.divf %get3A_6, %div3A_8 : vector<1x512xf32>
    %mul3A = arith.mulf %div3A_3, %div3A_3 : vector<1x512xf32>
    %sub3A = arith.subf %div3A_9, %mul3A : vector<1x512xf32>
    %add3A = arith.constant 9.99999974E-6 : f32
    %add3A_10 = vector.broadcast %add3A : f32 to vector<1x512xf32>
    %add3A_11 = arith.addf %sub3A, %add3A_10 : vector<1x512xf32>
    %rsqrt3A = math.rsqrt %add3A_11 : vector<1x512xf32>
    %get3A_12 = arith.constant 0 : index
    %get3A_13 = arith.constant 0 : index
    %get3A_14 = vector.load %arg3[%get3A_12, %get3A_13] : memref<1x512xf32, #tpu.memory_space<vmem>>, vector<1x512xf32>
    %mul3A_15 = arith.mulf %get3A_14, %rsqrt3A : vector<1x512xf32>
    %get3A_16 = arith.constant 0 : index
    %get3A_17 = arith.constant 0 : index
    %get3A_18 = vector.load %arg4[%get3A_16, %get3A_17] : memref<1x512xf32, #tpu.memory_space<vmem>>, vector<1x512xf32>
    %mul3A_19 = arith.mulf %div3A_3, %mul3A_15 : vector<1x512xf32>
    %sub3A_20 = arith.subf %get3A_18, %mul3A_19 : vector<1x512xf32>
    %get3A_21 = arith.constant 0 : index
    %get3A_22 = arith.constant 0 : index
    %get3A_23 = vector.load %arg1[%get3A_21, %get3A_22] : memref<2000x512xf32, #tpu.memory_space<vmem>>, vector<2000x512xf32>
    %mul3A_24 = vector.broadcast %mul3A_15 : vector<1x512xf32> to vector<2000x512xf32>
    %mul3A_25 = arith.mulf %get3A_23, %mul3A_24 : vector<2000x512xf32>
    %add3A_26 = vector.broadcast %sub3A_20 : vector<1x512xf32> to vector<2000x512xf32>
    %add3A_27 = arith.addf %mul3A_25, %add3A_26 : vector<2000x512xf32>
    %max3A = arith.constant 0.000000e+00 : f32
    %max3A_28 = vector.broadcast %max3A : f32 to vector<2000x512xf32>
    %max3A_29 = arith.maximumf %add3A_27, %max3A_28 : vector<2000x512xf32>
    %get3A_30 = arith.constant 0 : index
    %get3A_31 = arith.constant 0 : index
    %get3A_32 = vector.load %arg5[%get3A_30, %get3A_31] : memref<128x512xf32, #tpu.memory_space<vmem>>, vector<128x512xf32>
    %dot_general3A = arith.constant dense<0.000000e+00> : vector<2000x128xf32>
    %dot_general3A_33 = tpu.matmul %max3A_29, %get3A_32, %dot_general3A {dimension_numbers = #tpu.dot_dimension_numbers<[1], [1], [0], [0], [0, 0, 1, 0], [], []>, transpose_lhs_hint = false} : vector<2000x512xf32>, vector<128x512xf32>, vector<2000x128xf32> -> vector<2000x128xf32>
    %swap3A = arith.constant 0 : index
    %swap3A_34 = arith.constant 0 : index
    %swap3A_35 = vector.load %arg8[%swap3A, %swap3A_34] : memref<2000x128xf32, #tpu.memory_space<vmem>>, vector<2000x128xf32>
    tpu.vector_store %arg8[%swap3A, %swap3A_34], %dot_general3A_33 {strides = array<i32>} : memref<2000x128xf32, #tpu.memory_space<vmem>>, vector<2000x128xf32>,
    %get3A_36 = arith.constant 0 : index
    %get3A_37 = arith.constant 0 : index
    %get3A_38 = vector.load %arg6[%get3A_36, %get3A_37] : memref<128x512xf32, #tpu.memory_space<vmem>>, vector<128x512xf32>
    %dot_general3A_39 = arith.constant dense<0.000000e+00> : vector<2000x128xf32>
    %dot_general3A_40 = tpu.matmul %max3A_29, %get3A_38, %dot_general3A_39 {dimension_numbers = #tpu.dot_dimension_numbers<[1], [1], [0], [0], [0, 0, 1, 0], [], []>, transpose_lhs_hint = false} : vector<2000x512xf32>, vector<128x512xf32>, vector<2000x128xf32> -> vector<2000x128xf32>
    %get3A_41 = arith.constant 0 : index
    %get3A_42 = arith.constant 0 : index
    %get3A_43 = vector.load %arg7[%get3A_41, %get3A_42] : memref<1x128xf32, #tpu.memory_space<vmem>>, vector<1x128xf32>
    %add3A_44 = vector.broadcast %get3A_43 : vector<1x128xf32> to vector<2000x128xf32>
    %add3A_45 = arith.addf %dot_general3A_40, %add3A_44 : vector<2000x128xf32>
    %swap3A_46 = arith.constant 0 : index
    %swap3A_47 = arith.constant 0 : index
    %swap3A_48 = vector.load %arg9[%swap3A_46, %swap3A_47] : memref<2000x128xf32, #tpu.memory_space<vmem>>, vector<2000x128xf32>
    tpu.vector_store %arg9[%swap3A_46, %swap3A_47], %add3A_45 {strides = array<i32>} : memref<2000x128xf32, #tpu.memory_space<vmem>>, vector<2000x128xf32>,
    return
  }
  func.func @transform_0(%arg0: i32) -> (i32, i32) {
    %c0_i32 = arith.constant 0 : i32
    %c0_i32_0 = arith.constant 0 : i32
    return %arg0, %c0_i32 : i32, i32
  }
  func.func @transform_1(%arg0: i32) -> (i32, i32) {
    %c0_i32 = arith.constant 0 : i32
    %c0_i32_0 = arith.constant 0 : i32
    %c0_i32_1 = arith.constant 0 : i32
    return %c0_i32, %c0_i32_0 : i32, i32
  }
  func.func @transform_2(%arg0: i32) -> (i32, i32) {
    %c0_i32 = arith.constant 0 : i32
    %c0_i32_0 = arith.constant 0 : i32
    %c0_i32_1 = arith.constant 0 : i32
    return %c0_i32, %c0_i32_0 : i32, i32
  }
  func.func @transform_3(%arg0: i32) -> (i32, i32) {
    %c0_i32 = arith.constant 0 : i32
    %c0_i32_0 = arith.constant 0 : i32
    %c0_i32_1 = arith.constant 0 : i32
    return %c0_i32, %c0_i32_0 : i32, i32
  }
  func.func @transform_4(%arg0: i32) -> (i32, i32) {
    %c0_i32 = arith.constant 0 : i32
    %c0_i32_0 = arith.constant 0 : i32
    %c0_i32_1 = arith.constant 0 : i32
    return %c0_i32, %c0_i32_0 : i32, i32
  }
  func.func @transform_5(%arg0: i32) -> (i32, i32) {
    %c0_i32 = arith.constant 0 : i32
    %c0_i32_0 = arith.constant 0 : i32
    %c0_i32_1 = arith.constant 0 : i32
    return %c0_i32, %c0_i32_0 : i32, i32
  }
  func.func @transform_6(%arg0: i32) -> (i32, i32) {
    %c0_i32 = arith.constant 0 : i32
    %c0_i32_0 = arith.constant 0 : i32
    %c0_i32_1 = arith.constant 0 : i32
    return %c0_i32, %c0_i32_0 : i32, i32
  }
  func.func @transform_7(%arg0: i32) -> (i32, i32) {
    %c0_i32 = arith.constant 0 : i32
    %c0_i32_0 = arith.constant 0 : i32
    return %arg0, %c0_i32 : i32, i32
  }
  func.func @transform_8(%arg0: i32) -> (i32, i32) {
    %c0_i32 = arith.constant 0 : i32
    %c0_i32_0 = arith.constant 0 : i32
    return %arg0, %c0_i32 : i32, i32
  }
}

module attributes {stable_mosaic.version = 14 : i64} {
  func.func @_k3_body(%arg0: i32, %arg1: memref<2000x128xf32, #tpu.memory_space<vmem>>, %arg2: memref<2000x128xf32, #tpu.memory_space<vmem>>, %arg3: memref<2000x16xf32, #tpu.memory_space<vmem>>, %arg4: memref<2000x16xf32, #tpu.memory_space<vmem>>, %arg5: memref<2000x128xf32, #tpu.memory_space<vmem>>, %arg6: memref<2000x128xf32, #tpu.memory_space<vmem>>) attributes {dimension_semantics = [#tpu.dimension_semantics<arbitrary>], iteration_bounds = array<i64: 5>, scalar_prefetch = 0 : i64, scratch_operands = 0 : i64, tpu.core_type = #tpu.core_type<tc>, window_params = [{transform_indices = @transform_0, window_bounds = array<i64: 2000, 128>}, {transform_indices = @transform_1, window_bounds = array<i64: 2000, 128>}, {transform_indices = @transform_2, window_bounds = array<i64: 2000, 16>}, {transform_indices = @transform_3, window_bounds = array<i64: 2000, 16>}, {transform_indices = @transform_4, window_bounds = array<i64: 2000, 128>}, {transform_indices = @transform_5, window_bounds = array<i64: 2000, 128>}]} {
    %get3A = arith.constant 0 : index
    %get3A_0 = arith.constant 0 : index
    %get3A_1 = vector.load %arg3[%get3A, %get3A_0] : memref<2000x16xf32, #tpu.memory_space<vmem>>, vector<2000x1xf32>
    %get3A_2 = arith.constant 0 : index
    %get3A_3 = arith.constant 0 : index
    %get3A_4 = vector.load %arg4[%get3A_2, %get3A_3] : memref<2000x16xf32, #tpu.memory_space<vmem>>, vector<2000x1xf32>
    %add3A = arith.addf %get3A_1, %get3A_4 : vector<2000x1xf32>
    %max3A = arith.constant 1.000000e+00 : f32
    %max3A_5 = vector.broadcast %max3A : f32 to vector<2000x1xf32>
    %max3A_6 = arith.maximumf %add3A, %max3A_5 : vector<2000x1xf32>
    %get3A_7 = arith.constant 0 : index
    %get3A_8 = arith.constant 0 : index
    %get3A_9 = vector.load %arg1[%get3A_7, %get3A_8] : memref<2000x128xf32, #tpu.memory_space<vmem>>, vector<2000x128xf32>
    %get3A_10 = arith.constant 0 : index
    %get3A_11 = arith.constant 0 : index
    %get3A_12 = vector.load %arg2[%get3A_10, %get3A_11] : memref<2000x128xf32, #tpu.memory_space<vmem>>, vector<2000x128xf32>
    %add3A_13 = arith.addf %get3A_9, %get3A_12 : vector<2000x128xf32>
    %div3A = vector.broadcast %max3A_6 : vector<2000x1xf32> to vector<2000x128xf32>
    %div3A_14 = arith.divf %add3A_13, %div3A : vector<2000x128xf32>
    %get3A_15 = arith.constant 0 : index
    %get3A_16 = arith.constant 0 : index
    %get3A_17 = vector.load %arg5[%get3A_15, %get3A_16] : memref<2000x128xf32, #tpu.memory_space<vmem>>, vector<2000x128xf32>
    %add3A_18 = arith.addf %div3A_14, %get3A_17 : vector<2000x128xf32>
    %swap3A = arith.constant 0 : index
    %swap3A_19 = arith.constant 0 : index
    %swap3A_20 = vector.load %arg6[%swap3A, %swap3A_19] : memref<2000x128xf32, #tpu.memory_space<vmem>>, vector<2000x128xf32>
    tpu.vector_store %arg6[%swap3A, %swap3A_19], %add3A_18 {strides = array<i32>} : memref<2000x128xf32, #tpu.memory_space<vmem>>, vector<2000x128xf32>,
    return
  }
  func.func @transform_0(%arg0: i32) -> (i32, i32) {
    %c0_i32 = arith.constant 0 : i32
    %c0_i32_0 = arith.constant 0 : i32
    return %arg0, %c0_i32 : i32, i32
  }
  func.func @transform_1(%arg0: i32) -> (i32, i32) {
    %c0_i32 = arith.constant 0 : i32
    %c0_i32_0 = arith.constant 0 : i32
    return %arg0, %c0_i32 : i32, i32
  }
  func.func @transform_2(%arg0: i32) -> (i32, i32) {
    %c0_i32 = arith.constant 0 : i32
    %c0_i32_0 = arith.constant 0 : i32
    return %arg0, %c0_i32 : i32, i32
  }
  func.func @transform_3(%arg0: i32) -> (i32, i32) {
    %c0_i32 = arith.constant 0 : i32
    %c0_i32_0 = arith.constant 0 : i32
    return %arg0, %c0_i32 : i32, i32
  }
  func.func @transform_4(%arg0: i32) -> (i32, i32) {
    %c0_i32 = arith.constant 0 : i32
    %c0_i32_0 = arith.constant 0 : i32
    return %arg0, %c0_i32 : i32, i32
  }
  func.func @transform_5(%arg0: i32) -> (i32, i32) {
    %c0_i32 = arith.constant 0 : i32
    %c0_i32_0 = arith.constant 0 : i32
    return %arg0, %c0_i32 : i32, i32
  }
}

</mosaic_0001>

<sc_bundles>
// kernel: kernel.10.cloned.1.call-start
scs
__scs_entry_jumppad:
0x0: {  	(pc) =	sbr.rel $0x88, $3  }
0x1: {  	(tag) =	ssettag $0x0;
	lr =	simm.s32 $0x1  }
0x2: {  	[smem:$0x3F97] =	sst lr;
	_ =	strace $0xD0000000  }
0x3: {  	_ = 	snop  }
0x4: {  	_ = 	snop  }
0x5: {  	_ = 	snop  }
0x6: {  	_ = 	snop  }
0x7: {  	_ = 	snop  }
__scs_overlays_trampoline_lowered:
0x8: {  	[smem:$0x3FA6] =	sst s0  }
0x9: {  	[smem:$0x3FA7] =	sst s1  }
0xa: {  	[smem:$0x3FA8] =	sst s2  }
0xb: {  	[smem:$0x3FA9] =	sst s3  }
0xc: {  	[smem:$0x3FAA] =	sst s4  }
0xd: {  	[smem:$0x3FAB] =	sst s5  }
0xe: {  	[smem:$0x3FAC] =	sst s6  }
0xf: {  	[smem:$0x3FAD] =	sst s7  }
0x10: {  	[smem:$0x3FAE] =	sst s8  }
0x11: {  	[smem:$0x3FAF] =	sst s9;
	s0 =	simm.s32 @!p0 $0x0  }
0x12: {  	s1 =	sld [smem:$0x3F95];
	s0 =	simm.s32 @p0 $0x1  }
0x13: {  	[smem:$0x3FB0] =	sst s0;
	s0 =	simm.s32 @!p1 $0x0  }
0x14: {  	s2 =	sld [smem:$0x3F94];
	s0 =	simm.s32 @p1 $0x1  }
0x15: {  	[smem:$0x3FB1] =	sst s0;
	s0 =	simm.s32 @!p2 $0x0  }
0x16: {  	s3 =	sld [smem:$0x3FDB];
	s0 =	simm.s32 @p2 $0x1  }
0x17: {  	s4 =	simm.s32 $0x1BF5;
	[smem:$0x3FB3] =	sst s0  }
0x18: {  	s0 =	sld [smem:$0x3F96];
	_ =	swait.ge [sflag:s4], $0x0  }
0x19: {  	s7 =	sld [smem:$0x3F97]  }
0x1a: {  	s8 =	sadd.s32 $0xFFFFE003, lr  }
0x1b: {  	s9 =	sadd.s32 $0xFFFFFEF7, lr;
	s5 =	simm.s32 $0xFFFFFFFF;
	p2 =	slt.u32 s8, $0xFFFFF086  }
0x1c: {  	p1 =	slt.u32 s9, $0xF7A;
	s5 =	simm.s32 @!p2 $0x0  }
0x1d: {  	s5 =	simm.s32 @p1 $0x1;
	p0 =	seq.s32 s7, s2  }
0x1e: {  	s7 =	smul.u32 @!p0 $0xF7A, s2;
	p2 =	seq.s32 @!p0 s5, $0x0  }
0x1f: {  	s9 =	smul.u32 $0xF7A, s1;
	s8 =	simm.s32 @!p0 $0x1BF5;
	p2 =	por !p2, p0  }
0x20: {  	[sflag:s8] =	ssyncset.s32 @!p0 $0xFFFFF086;
	s6 =	sadd.s32 @!p0 s3, s7;
	s7 =	simm.s32 @!p0 $0x108  }
0x21: {  	s3 =	sadd.s32 s3, s9;
	s6 =	sadd.s32 @!p0 $0x88, s6;
	s7 =	simm.s32 @p2 $0x1082  }
0x22: {  	[simem:s7], [sflag:s8] =	dma.local @!p0 [hbm:s6], $0xF7A  }
0x23: {  	s9 =	sor.u32 $0xD0000000, s2;
	s6 =	simm.s32 $0x108;
	_ =	swait.ge @!p0 [sflag:s8], $0x0  }
0x24: {  	s3 =	sadd.s32 $0x88, s3;
	s6 =	simm.s32 @!p1 $0x1082;
	[sflag:s4] =	ssyncset.s32 $0xFFFFF086  }
0x25: {  	[simem:s6], [sflag:s4] =	dma.local [hbm:s3], $0xF7A  }
0x26: {  	[smem:$0x3F97] =	sst s1;
	(tag) =	ssettag s2;
	_ =	strace s9  }
0x27: {  	s1 =	sld [smem:$0x3FA7]  }
0x28: {  	s2 =	sld [smem:$0x3FA8]  }
0x29: {  	s4 =	sld [smem:$0x3FAA]  }
0x2a: {  	p0 =	seq.s32 s5, $0x0;
	s5 =	sld [smem:$0x3FAB]  }
0x2b: {  	s6 =	sld [smem:$0x3FAC]  }
0x2c: {  	s7 =	sld [smem:$0x3FAD]  }
0x2d: {  	s3 =	simm.s32 $0x108;
	s8 =	sld [smem:$0x3FAE]  }
0x2e: {  	s3 =	simm.s32 @!p0 $0x1082;
	s9 =	sld [smem:$0x3FAF]  }
0x2f: {  	lr =	sadd.s32 s0, s3;
	s0 =	sld [smem:$0x3FA6]  }
0x30: {  	s3 =	sld [smem:$0x3FA9]  }
0x31: {  	[smem:$0x3FB2] =	sst s10  }
0x32: {  	s10 =	sld [smem:$0x3FB0];
	_ =	sdelay $0x3  }
0x33: {  	p0 =	seq.s32 s10, $0x1;
	s10 =	sld [smem:$0x3FB2];
	_ =	sdelay $0x3  }
0x34: {  	[smem:$0x3FB2] =	sst s10  }
0x35: {  	s10 =	sld [smem:$0x3FB1];
	_ =	sdelay $0x3  }
0x36: {  	p1 =	seq.s32 s10, $0x1;
	s10 =	sld [smem:$0x3FB2];
	_ =	sdelay $0x3  }
0x37: {  	[smem:$0x3FB2] =	sst s10  }
0x38: {  	s10 =	sld [smem:$0x3FB3]  }
0x39: {  	_ = 	snop;
	(pc) =	sbr.ind lr, $3  }
0x3a: {  	_ = 	snop  }
0x3b: {  	_ = 	snop  }
0x3c: {  	p2 =	seq.s32 s10, $0x1;
	s10 =	sld [smem:$0x3FB2]  }
0x3d: {  	_ =	shalt  }
0x3e: {  	_ =	shalt  }
0x3f: {  	_ =	shalt  }
0x40: {  	_ =	shalt  }
0x41: {  	_ =	shalt  }
0x42: {  	_ =	shalt  }
0x43: {  	_ =	shalt  }
0x44: {  	_ =	shalt  }
0x45: {  	_ =	shalt  }
0x46: {  	_ =	shalt  }
0x47: {  	_ =	shalt  }
0x48: {  	_ =	shalt  }
0x49: {  	_ =	shalt  }
0x4a: {  	_ =	shalt  }
0x4b: {  	_ =	shalt  }
0x4c: {  	_ =	shalt  }
0x4d: {  	_ =	shalt  }
0x4e: {  	_ =	shalt  }
0x4f: {  	_ =	shalt  }
0x50: {  	_ =	shalt  }
0x51: {  	_ =	shalt  }
0x52: {  	_ =	shalt  }
0x53: {  	_ =	shalt  }
0x54: {  	_ =	shalt  }
0x55: {  	_ =	shalt  }
0x56: {  	_ =	shalt  }
0x57: {  	_ =	shalt  }
0x58: {  	_ =	shalt  }
0x59: {  	_ =	shalt  }
0x5a: {  	_ =	shalt  }
0x5b: {  	_ =	shalt  }
0x5c: {  	_ =	shalt  }
0x5d: {  	_ =	shalt  }
0x5e: {  	_ =	shalt  }
0x5f: {  	_ =	shalt  }
0x60: {  	_ =	shalt  }
0x61: {  	_ =	shalt  }
0x62: {  	_ =	shalt  }
0x63: {  	_ =	shalt  }
0x64: {  	_ =	shalt  }
0x65: {  	_ =	shalt  }
0x66: {  	_ =	shalt  }
0x67: {  	_ =	shalt  }
0x68: {  	_ =	shalt  }
0x69: {  	_ =	shalt  }
0x6a: {  	_ =	shalt  }
0x6b: {  	_ =	shalt  }
0x6c: {  	_ =	shalt  }
0x6d: {  	_ =	shalt  }
0x6e: {  	_ =	shalt  }
0x6f: {  	_ =	shalt  }
0x70: {  	_ =	shalt  }
0x71: {  	_ =	shalt  }
0x72: {  	_ =	shalt  }
0x73: {  	_ =	shalt  }
0x74: {  	_ =	shalt  }
0x75: {  	_ =	shalt  }
0x76: {  	_ =	shalt  }
0x77: {  	_ =	shalt  }
0x78: {  	_ =	shalt  }
0x79: {  	_ =	shalt  }
0x7a: {  	_ =	shalt  }
0x7b: {  	_ =	shalt  }
0x7c: {  	_ =	shalt  }
0x7d: {  	_ =	shalt  }
0x7e: {  	_ =	shalt  }
0x7f: {  	_ =	shalt  }
0x80: {  	_ =	shalt  }
0x81: {  	_ =	shalt  }
0x82: {  	_ =	shalt  }
0x83: {  	_ =	shalt  }
0x84: {  	_ =	shalt  }
0x85: {  	_ =	shalt  }
0x86: {  	_ =	shalt  }
0x87: {  	_ =	shalt  }
.Lfunc_end0:
.L_simem_size_0:
called_computation.1_lowered:
.L_overlay_start_0:
0x88: {  	s2 =	sld [smem:$0x3FD9]  }
0x89: {  	s3 =	sld [smem:$0x3FFE];
	_ =	sdelay $0x1  }
0x8a: {  	s1 =	srdreg.scid  }
0x8b: {  	s0 =	sand.u32 $0x1, s1  }
0x8c: {  	s17 =	sshll.u32 s0, $0xA;
	s2 =	sadd.s32 s3, s2  }
0x8d: {  	s2 =	sadd.s32 s2, s17  }
0x8e: {  	[smem:$0x3FBE] =	sst s2  }
0x8f: {  	_ = 	snop  }
0x90: {  	s2 =	sld [smem:$0x3FD0];
	(tm) =	ssettm $0x1  }
0x91: {  	s18 =	sld [smem:$0x3FFB];
	_ =	sdelay $0x3  }
0x92: {  	_ =	strace s18  }
0x93: {  	s3 =	sld [smem:$0x3FFC];
	_ =	sdelay $0x3  }
0x94: {  	_ =	strace s3  }
0x95: {  	s3 =	sld [smem:$0x3FFD];
	_ =	sdelay $0x3  }
0x96: {  	_ =	strace s3  }
0x97: {  	_ =	strace $0x8FFFFFFF  }
0x98: {  	s19 =	sld [smem:$0x3FDB];
	_ =	sdelay $0x1  }
0x99: {  	s4 =	simm.s32 $_scs_section_size  }
0x9a: {  	s5 =	simm.s32 $_size__tile_overlayer_lowered;
	s6 =	simm.s32 $_tile_overlayer_lowered  }
0x9b: {  	s22 =	simm.s32 $0x1BFF;
	s21 =	sshll.u32 s6, $0x1;
	s3 =	sadd.s32 s4, s19  }
0x9c: {  	s7 =	simm.s32 $0x0;
	s20 =	sshll.u32 s5, $0x1;
	s5 =	sadd.s32 s21, s3  }
0x9d: {  	[timem:s7], [sflag:s22] =	dma.local [hbm:s5], s20  }
0x9e: {  	_ =	swait.ge [sflag:s22], s20  }
0x9f: {  	s4 =	ssub.s32 $0x0, s20;
	[sflag:s22] =	ssyncset.done $0x0  }
0xa0: {  	[sflag:s22] =	ssyncadd.s32 s4;
	_ =	sdelay $0x1  }
0xa1: {  	s23 =	simm.s32 $0x1B8B  }
0xa2: {  	_ =	swait.ge [sflag:s23], $0x1  }
0xa3: {  	[sflag:s23] =	ssyncset.done $0x0  }
0xa4: {  	s25 =	simm.s32 $0x1B8E;
	s24 =	sld [smem:$0x3FFE];
	[sflag:s23] =	ssyncadd.s32 $0xFFFFFFFF  }
0xa5: {  	s26 =	simm.s32 $execute0_lowered;
	[smem:$0x3FD2] =	sst s25  }
0xa6: {  	s5 =	sshll.u32 s26, $0x1;
	_ =	strace $0x80000049;
	[dreg:$0x1] =	wrdreg $0xFFFFFFFF  }
0xa7: {  	s28 =	simm.s32 $_size_execute0_lowered;
	s3 =	sadd.s32 s3, s5;
	[dreg:$0x0] =	wrdreg $0x0  }
0xa8: {  	s5 =	sshll.u32 s28, $0x1;
	[dreg:$0x2] =	wrdreg s3  }
0xa9: {  	[dreg:$0x3] =	wrdreg s5  }
0xaa: {  	[dreg:$0x4] =	wrdreg $0xC0  }
0xab: {  	_ =	task [dreg:s7], $0x5FFFF  }
0xac: {  	[dreg:$0x1] =	wrdreg $0xFFFFFFFF  }
0xad: {  	[dreg:$0x0] =	wrdreg $0x60  }
0xae: {  	[dreg:$0x2] =	wrdreg s2  }
0xaf: {  	[dreg:$0x3] =	wrdreg s24  }
0xb0: {  	[dreg:$0x4] =	wrdreg $0x41000  }
0xb1: {  	[dreg:$0x5] =	wrdreg $0x9  }
0xb2: {  	_ =	task.clear_ibuf [dreg:s7], $0x6FFFF;
	_ =	strace $0x90000049  }
0xb3: {  	s29 =	simm.s32 $0x9;
	_ =	strace $0x8000004B  }
0xb4: {  	_ =	swait.ge [sflag:s29], $0x1  }
0xb5: {  	[sflag:s29] =	ssyncadd.s32 $0xFFFFFFFF  }
0xb6: {  	_ =	strace $0x9000004B  }
0xb7: {  	_ =	sfence  }
0xb8: {  	s30 =	sld [smem:$0x0];
	_ =	sdelay $0x2  }
0xb9: {  	s31 =	sshll.u32 s1, $0xD;
	s1 =	sshrl.u32 s1, $0x2  }
0xba: {  	s3 =	sand.u32 $0x4000, s31;
	s1 =	sadd.s32 s1, s30  }
0xbb: {  	s0 =	sor.u32 s3, s0;
	s1 =	sshll.u32 s1, $0x11  }
0xbc: {  	s0 =	sor.u32 s1, s0  }
0xbd: {  	s0 =	sadd.s32 $0x8F2B, s0  }
0xbe: {  	[sflag:s0] =	ssyncadd.remote.s32 $0x1  }
0xbf: {  	_ =	sfence.sel $0xFFFF  }
0xc0: {  	[dreg:$0x0] =	wrdreg $0xFFFFFFFF;
	(pc) =	sbr.abs _section_cstart, $3  }
0xc1: {  	[dreg:$0x1] =	wrdreg $0xFFFFFFFF  }
0xc2: {  	_ =	task.clear_ibuf [dreg:s7], $0x2FFFF;
	_ =	strace $0x9FFFFFFF  }
0xc3: {  	(tm) =	ssettm $0x7FFFFFFF  }
tec
execute0_lowered:
.L_overlay_start_1:
0x0: {  	(tag) =	ssettag $0x1  }
0x1: {  	s0 =	rddreg [dreg:$0x0]  }
0x2: {  	s5 =	rddreg [dreg:$0x1];
	s1 =	srdreg.scid  }
0x3: {  	s3 =	rddreg [dreg:$0x2];
	s2 =	stileid.u32  }
0x4: {  	s4 =	simm.s32 $0x0;
	s14 =	simm.s32 $0x100;
	s8 =	smul.u32 $0x14000, s2  }
0x5: {  	s15 =	simm.s32 $0x1;
	s6 =	sand.u32 $0x1, s1;
	s12 =	smul.u32 $0x4F0, s2  }
0x6: {  	s16 =	simm.s32 $0x0;
	s1 =	rddreg [dreg:$0x3];
	s7 =	smul.u32 $0x4F00, s6  }
0x7: {  	[smem:$0x7FF] =	sst s4;
	s31 =	sshll.u32 s2, $0x6;
	s9 =	smul.u32 $0x140000, s6  }
0x8: {  	_ =	strace $0x8000004A;
	s6 =	ssub.s32 $0x2, s6;
	s30 =	sshrl.u32 s8, $0x3  }
0x9: {  	s11 =	sshrl.u32 s6, $0x1;
	s13 =	sadd.s32 s8, s3;
	s10 =	sadd.s32 s7, s5  }
0xa: {  	s9 =	sadd.s32 s8, s9;
	s7 =	sadd.s32 s30, s5;
	s11 =	ssub.s32 s6, s11  }
0xb: {  	s6 =	sor.u32 $0x1C02, s31;
	s9 =	sshrl.u32 s9, $0x3;
	s10 =	sadd.s32 s12, s10  }
0xc: {  	s8 =	smax.u32 s11, $0x1;
	s11 =	sshrl.u32 s13, $0x3;
	s12 =	simm.s32 $0x2  }
0xd: {  	s13 =	simm.s32 $0x80;
	s9 =	sadd.s32 s9, s5;
	s5 =	sadd.s32 $0x1B200, s7  }
0xe: {  	s7 =	sadd.s32 $0x6A400, s9;
	s9 =	sadd.s32 $0x2400, s10;
	s10 =	sadd.s32 $0xC200, s10  }
.LBB2_1:
0xf: {  	[spmem:s11], [sflag:s6] =	dma.local [hbm:s5], $0x2800  }
0x10: {  	_ =	swait.ge [sflag:s12], $0x2800  }
0x11: {  	[sflag:s12] =	ssyncset.done $0x0  }
0x12: {  	[sflag:s12] =	ssyncadd.s32 $0xFFFFD800  }
0x13: {  	s17 =	sadd.s32 $0x0, s10;
	[bflag:$0x0] =	sbarrier.arrive $0xFFFF  }
0x14: {  	[tilespmem:s4], [sflag:$0x2] =	stream.linear.gather [hbm4b:s17+s4], $0x80, $0x38;
	[tilespmem:$0x18100] =	vst v63  }
0x15: {  	_ =	swait.ge [sflag:s12], $0x80  }
0x16: {  	[sflag:s12] =	ssyncset.done $0x0  }
0x17: {  	s31 =	sadd.s32 $0x0, s9;
	[sflag:s12] =	ssyncadd.s32 $0xFFFFFF80  }
0x18: {  	[tilespmem:s13], [sflag:$0x2] =	stream.linear.gather [hbm4b:s31+s4], $0x80, $0x38;
	[tilespmem:$0x18100] =	vst v63  }
0x19: {  	_ =	swait.ge [sflag:s12], $0x80  }
0x1a: {  	[sflag:s12] =	ssyncset.done $0x0  }
0x1b: {  	[sflag:s12] =	ssyncadd.s32 $0xFFFFFF80  }
0x1c: {  	[tilespmem:s14], [sflag:$0x1] =	stream.indirect.gather [hbm4b:s0+s13], $0x80, s4, s13, $0xb8;
	[tilespmem:$0x18100] =	vst v63  }
0x1d: {  	_ =	swait.ge [sflag:s15], $0x4000  }
0x1e: {  	[sflag:s15] =	ssyncset.done $0x0  }
0x1f: {  	[sflag:s15] =	ssyncadd.s32 $0xFFFFC000  }
0x20: {  	[spmem:s3] =	stream.indirect.scatter.add.f32 [tilespmem:s14], [sflag:$0x2], $0x80, s13, s13, $0xb8;
	[tilespmem:$0x18100] =	vst v63  }
0x21: {  	_ =	swait.ge [sflag:s12], $0x4000  }
0x22: {  	s18 =	simm.s32 $0x20;
	s17 =	simm.s32 $0x10;
	[sflag:s12] =	ssyncset.done $0x0  }
.LBB2_2:
0x23: {  	s19 =	sadd.s32 s17, s10  }
0x24: {  	[sflag:s12] =	ssyncadd.s32 $0xFFFFC000;
	s20 =	smov.u32 s18;
	s21 =	sadd.s32 $0x10, s18  }
0x25: {  	[tilespmem:s4], [sflag:$0x2] =	stream.linear.gather [hbm4b:s19+s4], $0x80, $0x38;
	[tilespmem:$0x18100] =	vst v63  }
0x26: {  	p0 =	sne.s32 s18, $0x4E0;
	_ =	swait.ge [sflag:s12], $0x80  }
0x27: {  	[sflag:s12] =	ssyncset.done $0x0  }
0x28: {  	s18 =	sadd.s32 s17, s9;
	s17 =	smov.u32 s20;
	[sflag:s12] =	ssyncadd.s32 $0xFFFFFF80  }
0x29: {  	[tilespmem:s13], [sflag:$0x2] =	stream.linear.gather [hbm4b:s18+s4], $0x80, $0x38;
	[tilespmem:$0x18100] =	vst v63  }
0x2a: {  	_ =	swait.ge [sflag:s12], $0x80  }
0x2b: {  	[sflag:s12] =	ssyncset.done $0x0  }
0x2c: {  	[sflag:s12] =	ssyncadd.s32 $0xFFFFFF80  }
0x2d: {  	[tilespmem:s14], [sflag:$0x1] =	stream.indirect.gather [hbm4b:s0+s13], $0x80, s4, s13, $0xb8;
	[tilespmem:$0x18100] =	vst v63  }
0x2e: {  	_ =	swait.ge [sflag:s15], $0x4000  }
.Ltmp0:
0x2f: {  	[sflag:s15] =	ssyncset.done $0x0;
	(pc) =	sbr.rel @p0 .LBB2_2-.Ltmp0, $4  }
0x30: {  	[sflag:s15] =	ssyncadd.s32 $0xFFFFC000  }
0x31: {  	[spmem:s3] =	stream.indirect.scatter.add.f32 [tilespmem:s14], [sflag:$0x2], $0x80, s13, s13, $0xb8;
	[tilespmem:$0x18100] =	vst v63  }
0x32: {  	_ =	swait.ge [sflag:s12], $0x4000  }
0x33: {  	s18 =	smov.u32 s21;
	[sflag:s12] =	ssyncset.done $0x0  }
0x34: {  	s18 =	sadd.s32 s17, s10;
	[sflag:s12] =	ssyncadd.s32 $0xFFFFC000  }
0x35: {  	[tilespmem:s4], [sflag:$0x2] =	stream.linear.gather [hbm4b:s18+s4], $0x80, $0x38;
	[tilespmem:$0x18100] =	vst v63  }
0x36: {  	_ =	swait.ge [sflag:s12], $0x80  }
0x37: {  	[sflag:s12] =	ssyncset.done $0x0  }
0x38: {  	s31 =	sadd.s32 s17, s9;
	[sflag:s12] =	ssyncadd.s32 $0xFFFFFF80  }
0x39: {  	[tilespmem:s13], [sflag:$0x2] =	stream.linear.gather [hbm4b:s31+s4], $0x80, $0x38;
	[tilespmem:$0x18100] =	vst v63  }
0x3a: {  	_ =	swait.ge [sflag:s12], $0x80  }
0x3b: {  	[sflag:s12] =	ssyncset.done $0x0  }
0x3c: {  	[sflag:s12] =	ssyncadd.s32 $0xFFFFFF80  }
0x3d: {  	[tilespmem:s14], [sflag:$0x1] =	stream.indirect.gather [hbm4b:s0+s13], $0x80, s4, s13, $0xb8;
	[tilespmem:$0x18100] =	vst v63  }
0x3e: {  	_ =	swait.ge [sflag:s15], $0x4000  }
0x3f: {  	[sflag:s15] =	ssyncset.done $0x0  }
0x40: {  	[sflag:s15] =	ssyncadd.s32 $0xFFFFC000  }
0x41: {  	[spmem:s3] =	stream.indirect.scatter.add.f32 [tilespmem:s14], [sflag:$0x2], $0x80, s13, s13, $0xb8;
	[tilespmem:$0x18100] =	vst v63  }
0x42: {  	_ =	swait.ge [sflag:s12], $0x4000  }
0x43: {  	s16 =	sadd.s32 $0x1, s16;
	[sflag:s12] =	ssyncset.done $0x0  }
0x44: {  	p0 =	sne.s32 s16, s8;
	[sflag:s12] =	ssyncadd.s32 $0xFFFFC000  }
.Ltmp1:
0x45: {  	[bflag:$0x0] =	sbarrier.arrive $0xFFFF;
	(pc) =	sbr.rel @p0 .LBB2_1-.Ltmp1, $4  }
0x46: {  	[hbm:s7], [sflag:s6] =	dma.local [spmem:s11], $0x2800  }
0x47: {  	_ =	swait.ge [sflag:s12], $0x2800  }
0x48: {  	[sflag:s12] =	ssyncset.done $0x0  }
0x49: {  	[sflag:s12] =	ssyncadd.s32 $0xFFFFD800  }
0x4a: {  	_ =	sfence.sel $0x180000  }
0x4b: {  	[bflag:$0x0] =	sbarrier.arrive $0xFFFF  }
0x4c: {  	p0 =	sne.s32 s2, $0x0;
	_ =	strace $0x9000004A  }
0x4d: {  	s0 =	sadd.s32 @!p0 $0x100000, s1;
	[bflag:$0x2] =	sbarrier.arrive $0xFFFF  }
0x4e: {  	[sflag:s0] =	ssyncadd.tile.s32 @!p0 $0x1;
	_ =	shalt  }
.Lfunc_end2:
_tile_overlayer_lowered:
.L_overlay_start_2:
0x4f: {  	(tag) =	ssettag $0x2  }
0x50: {  	s0 =	rddreg [dreg:$0x0];
	s2 =	stileid.u32  }
0x51: {  	s1 =	rddreg [dreg:$0x1];
	p0 =	sne.s32 s2, $0x0  }
0x52: {  	s3 =	rddreg [dreg:$0x2];
	[bflag:$0x3] =	sbarrier.arrive $0xFFFF;
	s2 =	simm.s32 @!p0 $0x1C02  }
0x53: {  	[timem:s3], [sflag:s2] =	dma.local @!p0 [hbm:s0], s1  }
0x54: {  	s0 =	simm.s32 @!p0 $0x2  }
0x55: {  	_ =	swait.ge @!p0 [sflag:s0], s1  }
0x56: {  	s1 =	ssub.s32 @!p0 $0x0, s1;
	[sflag:s0] =	ssyncset.done @!p0 $0x0  }
0x57: {  	[sflag:s0] =	ssyncadd.s32 @!p0 s1  }
0x58: {  	[bflag:$0x3] =	sbarrier.arrive $0xFFFF  }
0x59: {  	_ =	shalt  }

// kernel: kernel.7.cloned.1.call-start
scs
__scs_entry_jumppad:
0x0: {  	(pc) =	sbr.rel $0x88, $3  }
0x1: {  	(tag) =	ssettag $0x0;
	lr =	simm.s32 $0x1  }
0x2: {  	[smem:$0x3F97] =	sst lr;
	_ =	strace $0xD0000000  }
0x3: {  	_ = 	snop  }
0x4: {  	_ = 	snop  }
0x5: {  	_ = 	snop  }
0x6: {  	_ = 	snop  }
0x7: {  	_ = 	snop  }
__scs_overlays_trampoline_lowered:
0x8: {  	[smem:$0x3FA6] =	sst s0  }
0x9: {  	[smem:$0x3FA7] =	sst s1  }
0xa: {  	[smem:$0x3FA8] =	sst s2  }
0xb: {  	[smem:$0x3FA9] =	sst s3  }
0xc: {  	[smem:$0x3FAA] =	sst s4  }
0xd: {  	[smem:$0x3FAB] =	sst s5  }
0xe: {  	[smem:$0x3FAC] =	sst s6  }
0xf: {  	[smem:$0x3FAD] =	sst s7  }
0x10: {  	[smem:$0x3FAE] =	sst s8  }
0x11: {  	[smem:$0x3FAF] =	sst s9;
	s0 =	simm.s32 @!p0 $0x0  }
0x12: {  	s1 =	sld [smem:$0x3F95];
	s0 =	simm.s32 @p0 $0x1  }
0x13: {  	[smem:$0x3FB0] =	sst s0;
	s0 =	simm.s32 @!p1 $0x0  }
0x14: {  	s2 =	sld [smem:$0x3F94];
	s0 =	simm.s32 @p1 $0x1  }
0x15: {  	[smem:$0x3FB1] =	sst s0;
	s0 =	simm.s32 @!p2 $0x0  }
0x16: {  	s3 =	sld [smem:$0x3FDB];
	s0 =	simm.s32 @p2 $0x1  }
0x17: {  	s4 =	simm.s32 $0x1BF5;
	[smem:$0x3FB3] =	sst s0  }
0x18: {  	s0 =	sld [smem:$0x3F96];
	_ =	swait.ge [sflag:s4], $0x0  }
0x19: {  	s7 =	sld [smem:$0x3F97]  }
0x1a: {  	s8 =	sadd.s32 $0xFFFFE003, lr  }
0x1b: {  	s9 =	sadd.s32 $0xFFFFFEF7, lr;
	s5 =	simm.s32 $0xFFFFFFFF;
	p2 =	slt.u32 s8, $0xFFFFF086  }
0x1c: {  	p1 =	slt.u32 s9, $0xF7A;
	s5 =	simm.s32 @!p2 $0x0  }
0x1d: {  	s5 =	simm.s32 @p1 $0x1;
	p0 =	seq.s32 s7, s2  }
0x1e: {  	s7 =	smul.u32 @!p0 $0xF7A, s2;
	p2 =	seq.s32 @!p0 s5, $0x0  }
0x1f: {  	s9 =	smul.u32 $0xF7A, s1;
	s8 =	simm.s32 @!p0 $0x1BF5;
	p2 =	por !p2, p0  }
0x20: {  	[sflag:s8] =	ssyncset.s32 @!p0 $0xFFFFF086;
	s6 =	sadd.s32 @!p0 s3, s7;
	s7 =	simm.s32 @!p0 $0x108  }
0x21: {  	s3 =	sadd.s32 s3, s9;
	s6 =	sadd.s32 @!p0 $0x88, s6;
	s7 =	simm.s32 @p2 $0x1082  }
0x22: {  	[simem:s7], [sflag:s8] =	dma.local @!p0 [hbm:s6], $0xF7A  }
0x23: {  	s9 =	sor.u32 $0xD0000000, s2;
	s6 =	simm.s32 $0x108;
	_ =	swait.ge @!p0 [sflag:s8], $0x0  }
0x24: {  	s3 =	sadd.s32 $0x88, s3;
	s6 =	simm.s32 @!p1 $0x1082;
	[sflag:s4] =	ssyncset.s32 $0xFFFFF086  }
0x25: {  	[simem:s6], [sflag:s4] =	dma.local [hbm:s3], $0xF7A  }
0x26: {  	[smem:$0x3F97] =	sst s1;
	(tag) =	ssettag s2;
	_ =	strace s9  }
0x27: {  	s1 =	sld [smem:$0x3FA7]  }
0x28: {  	s2 =	sld [smem:$0x3FA8]  }
0x29: {  	s4 =	sld [smem:$0x3FAA]  }
0x2a: {  	p0 =	seq.s32 s5, $0x0;
	s5 =	sld [smem:$0x3FAB]  }
0x2b: {  	s6 =	sld [smem:$0x3FAC]  }
0x2c: {  	s7 =	sld [smem:$0x3FAD]  }
0x2d: {  	s3 =	simm.s32 $0x108;
	s8 =	sld [smem:$0x3FAE]  }
0x2e: {  	s3 =	simm.s32 @!p0 $0x1082;
	s9 =	sld [smem:$0x3FAF]  }
0x2f: {  	lr =	sadd.s32 s0, s3;
	s0 =	sld [smem:$0x3FA6]  }
0x30: {  	s3 =	sld [smem:$0x3FA9]  }
0x31: {  	[smem:$0x3FB2] =	sst s10  }
0x32: {  	s10 =	sld [smem:$0x3FB0];
	_ =	sdelay $0x3  }
0x33: {  	p0 =	seq.s32 s10, $0x1;
	s10 =	sld [smem:$0x3FB2];
	_ =	sdelay $0x3  }
0x34: {  	[smem:$0x3FB2] =	sst s10  }
0x35: {  	s10 =	sld [smem:$0x3FB1];
	_ =	sdelay $0x3  }
0x36: {  	p1 =	seq.s32 s10, $0x1;
	s10 =	sld [smem:$0x3FB2];
	_ =	sdelay $0x3  }
0x37: {  	[smem:$0x3FB2] =	sst s10  }
0x38: {  	s10 =	sld [smem:$0x3FB3]  }
0x39: {  	_ = 	snop;
	(pc) =	sbr.ind lr, $3  }
0x3a: {  	_ = 	snop  }
0x3b: {  	_ = 	snop  }
0x3c: {  	p2 =	seq.s32 s10, $0x1;
	s10 =	sld [smem:$0x3FB2]  }
0x3d: {  	_ =	shalt  }
0x3e: {  	_ =	shalt  }
0x3f: {  	_ =	shalt  }
0x40: {  	_ =	shalt  }
0x41: {  	_ =	shalt  }
0x42: {  	_ =	shalt  }
0x43: {  	_ =	shalt  }
0x44: {  	_ =	shalt  }
0x45: {  	_ =	shalt  }
0x46: {  	_ =	shalt  }
0x47: {  	_ =	shalt  }
0x48: {  	_ =	shalt  }
0x49: {  	_ =	shalt  }
0x4a: {  	_ =	shalt  }
0x4b: {  	_ =	shalt  }
0x4c: {  	_ =	shalt  }
0x4d: {  	_ =	shalt  }
0x4e: {  	_ =	shalt  }
0x4f: {  	_ =	shalt  }
0x50: {  	_ =	shalt  }
0x51: {  	_ =	shalt  }
0x52: {  	_ =	shalt  }
0x53: {  	_ =	shalt  }
0x54: {  	_ =	shalt  }
0x55: {  	_ =	shalt  }
0x56: {  	_ =	shalt  }
0x57: {  	_ =	shalt  }
0x58: {  	_ =	shalt  }
0x59: {  	_ =	shalt  }
0x5a: {  	_ =	shalt  }
0x5b: {  	_ =	shalt  }
0x5c: {  	_ =	shalt  }
0x5d: {  	_ =	shalt  }
0x5e: {  	_ =	shalt  }
0x5f: {  	_ =	shalt  }
0x60: {  	_ =	shalt  }
0x61: {  	_ =	shalt  }
0x62: {  	_ =	shalt  }
0x63: {  	_ =	shalt  }
0x64: {  	_ =	shalt  }
0x65: {  	_ =	shalt  }
0x66: {  	_ =	shalt  }
0x67: {  	_ =	shalt  }
0x68: {  	_ =	shalt  }
0x69: {  	_ =	shalt  }
0x6a: {  	_ =	shalt  }
0x6b: {  	_ =	shalt  }
0x6c: {  	_ =	shalt  }
0x6d: {  	_ =	shalt  }
0x6e: {  	_ =	shalt  }
0x6f: {  	_ =	shalt  }
0x70: {  	_ =	shalt  }
0x71: {  	_ =	shalt  }
0x72: {  	_ =	shalt  }
0x73: {  	_ =	shalt  }
0x74: {  	_ =	shalt  }
0x75: {  	_ =	shalt  }
0x76: {  	_ =	shalt  }
0x77: {  	_ =	shalt  }
0x78: {  	_ =	shalt  }
0x79: {  	_ =	shalt  }
0x7a: {  	_ =	shalt  }
0x7b: {  	_ =	shalt  }
0x7c: {  	_ =	shalt  }
0x7d: {  	_ =	shalt  }
0x7e: {  	_ =	shalt  }
0x7f: {  	_ =	shalt  }
0x80: {  	_ =	shalt  }
0x81: {  	_ =	shalt  }
0x82: {  	_ =	shalt  }
0x83: {  	_ =	shalt  }
0x84: {  	_ =	shalt  }
0x85: {  	_ =	shalt  }
0x86: {  	_ =	shalt  }
0x87: {  	_ =	shalt  }
.Lfunc_end0:
.L_simem_size_0:
called_computation_lowered:
.L_overlay_start_0:
0x88: {  	s2 =	sld [smem:$0x3FD9]  }
0x89: {  	s3 =	sld [smem:$0x3FFE];
	_ =	sdelay $0x1  }
0x8a: {  	s1 =	srdreg.scid  }
0x8b: {  	s0 =	sand.u32 $0x1, s1  }
0x8c: {  	s17 =	sshll.u32 s0, $0xA;
	s2 =	sadd.s32 s3, s2  }
0x8d: {  	s2 =	sadd.s32 s2, s17  }
0x8e: {  	[smem:$0x3FBE] =	sst s2  }
0x8f: {  	_ = 	snop  }
0x90: {  	s2 =	sld [smem:$0x3FC9]  }
0x91: {  	s18 =	sld [smem:$0x3FD0];
	(tm) =	ssettm $0x1  }
0x92: {  	s4 =	sld [smem:$0x3FFB];
	_ =	sdelay $0x3  }
0x93: {  	_ =	strace s4  }
0x94: {  	s4 =	sld [smem:$0x3FFC];
	_ =	sdelay $0x3  }
0x95: {  	_ =	strace s4  }
0x96: {  	s4 =	sld [smem:$0x3FFD];
	_ =	sdelay $0x3  }
0x97: {  	_ =	strace s4  }
0x98: {  	_ =	strace $0x8FFFFFFF  }
0x99: {  	s19 =	sld [smem:$0x3FDB];
	_ =	sdelay $0x1  }
0x9a: {  	s5 =	simm.s32 $_scs_section_size  }
0x9b: {  	s6 =	simm.s32 $_size__tile_overlayer_lowered;
	s7 =	simm.s32 $_tile_overlayer_lowered  }
0x9c: {  	s22 =	simm.s32 $0x1BFF;
	s21 =	sshll.u32 s7, $0x1;
	s4 =	sadd.s32 s5, s19  }
0x9d: {  	s8 =	simm.s32 $0x0;
	s20 =	sshll.u32 s6, $0x1;
	s6 =	sadd.s32 s21, s4  }
0x9e: {  	[timem:s8], [sflag:s22] =	dma.local [hbm:s6], s20  }
0x9f: {  	_ =	swait.ge [sflag:s22], s20  }
0xa0: {  	s5 =	ssub.s32 $0x0, s20;
	[sflag:s22] =	ssyncset.done $0x0  }
0xa1: {  	[sflag:s22] =	ssyncadd.s32 s5;
	_ =	sdelay $0x1  }
0xa2: {  	s23 =	simm.s32 $0x1B8B  }
0xa3: {  	_ =	swait.ge [sflag:s23], $0x1  }
0xa4: {  	[sflag:s23] =	ssyncset.done $0x0  }
0xa5: {  	s25 =	simm.s32 $0x1B8E;
	s24 =	sld [smem:$0x3FFE];
	[sflag:s23] =	ssyncadd.s32 $0xFFFFFFFF  }
0xa6: {  	s26 =	simm.s32 $execute0_lowered;
	[smem:$0x3FD2] =	sst s25  }
0xa7: {  	s6 =	sshll.u32 s26, $0x1;
	_ =	strace $0x80000046;
	[dreg:$0x1] =	wrdreg $0xFFFFFFFF  }
0xa8: {  	s28 =	simm.s32 $_size_execute0_lowered;
	s4 =	sadd.s32 s4, s6;
	[dreg:$0x0] =	wrdreg $0x0  }
0xa9: {  	s6 =	sshll.u32 s28, $0x1;
	[dreg:$0x2] =	wrdreg s4  }
0xaa: {  	[dreg:$0x3] =	wrdreg s6  }
0xab: {  	[dreg:$0x4] =	wrdreg $0xC0  }
0xac: {  	_ =	task [dreg:s8], $0x5FFFF  }
0xad: {  	[dreg:$0x1] =	wrdreg $0xFFFFFFFF  }
0xae: {  	[dreg:$0x0] =	wrdreg $0x60  }
0xaf: {  	[dreg:$0x2] =	wrdreg s2  }
0xb0: {  	[dreg:$0x3] =	wrdreg s24  }
0xb1: {  	[dreg:$0x4] =	wrdreg s18  }
0xb2: {  	[dreg:$0x5] =	wrdreg $0x41000  }
0xb3: {  	[dreg:$0x6] =	wrdreg $0x189000  }
0xb4: {  	[dreg:$0x7] =	wrdreg $0x9  }
0xb5: {  	_ =	task.clear_ibuf [dreg:s8], $0x8FFFF;
	_ =	strace $0x90000046  }
0xb6: {  	s29 =	simm.s32 $0x9;
	_ =	strace $0x80000048  }
0xb7: {  	_ =	swait.ge [sflag:s29], $0x1  }
0xb8: {  	[sflag:s29] =	ssyncadd.s32 $0xFFFFFFFF  }
0xb9: {  	_ =	strace $0x90000048  }
0xba: {  	_ =	sfence  }
0xbb: {  	s30 =	sld [smem:$0x0];
	_ =	sdelay $0x2  }
0xbc: {  	s31 =	sshll.u32 s1, $0xD;
	s1 =	sshrl.u32 s1, $0x2  }
0xbd: {  	s3 =	sand.u32 $0x4000, s31;
	s1 =	sadd.s32 s1, s30  }
0xbe: {  	s0 =	sor.u32 s3, s0;
	s1 =	sshll.u32 s1, $0x11  }
0xbf: {  	s0 =	sor.u32 s1, s0  }
0xc0: {  	s0 =	sadd.s32 $0x8F2B, s0  }
0xc1: {  	[sflag:s0] =	ssyncadd.remote.s32 $0x1  }
0xc2: {  	_ =	sfence.sel $0xFFFF  }
0xc3: {  	[dreg:$0x0] =	wrdreg $0xFFFFFFFF;
	(pc) =	sbr.abs _section_cstart, $3  }
0xc4: {  	[dreg:$0x1] =	wrdreg $0xFFFFFFFF  }
0xc5: {  	_ =	task.clear_ibuf [dreg:s8], $0x2FFFF;
	_ =	strace $0x9FFFFFFF  }
0xc6: {  	(tm) =	ssettm $0x7FFFFFFF  }
0xc7: {  	_ =	shalt  }
tec
execute0_lowered:
.L_overlay_start_1:
0x0: {  	(tag) =	ssettag $0x1  }
0x1: {  	s0 =	rddreg [dreg:$0x0]  }
0x2: {  	s7 =	rddreg [dreg:$0x1]  }
0x3: {  	s11 =	rddreg [dreg:$0x2]  }
0x4: {  	s3 =	rddreg [dreg:$0x3]  }
0x5: {  	s1 =	srdreg.scid;
	s4 =	rddreg [dreg:$0x4]  }
0x6: {  	s2 =	rddreg [dreg:$0x5];
	s8 =	sand.u32 $0x1, s1  }
0x7: {  	s1 =	stileid.u32;
	s6 =	smul.u32 $0x4F00, s8  }
0x8: {  	s5 =	simm.s32 $0x0;
	s20 =	simm.s32 $0x100;
	s9 =	smul.u32 $0x14000, s1  }
0x9: {  	s21 =	simm.s32 $0x1;
	[smem:$0x7FF] =	sst s5;
	s10 =	smul.u32 $0x2800, s1  }
0xa: {  	s22 =	simm.s32 $0x0;
	s13 =	smul.u32 $0x140000, s8;
	_ =	strace $0x80000047  }
0xb: {  	s15 =	ssub.s32 $0x2, s8;
	s28 =	sshll.u32 s1, $0x6;
	s18 =	smul.u32 $0x28000, s8  }
0xc: {  	s29 =	smul.u32 $0x4F0, s1;
	s17 =	sshrl.u32 s15, $0x1;
	s8 =	sor.u32 $0x1C02, s28  }
0xd: {  	s12 =	sshrl.u32 s9, $0x3;
	s14 =	sadd.s32 s6, s7;
	s25 =	sshrl.u32 s10, $0x3  }
0xe: {  	s13 =	sadd.s32 s9, s13;
	s6 =	sadd.s32 $0x16000, s7;
	s15 =	ssub.s32 s15, s17  }
0xf: {  	s26 =	sadd.s32 s9, s3;
	s19 =	sadd.s32 s10, s4;
	s30 =	sadd.s32 s10, s18  }
0x10: {  	s18 =	simm.s32 $0x18100;
	s12 =	sadd.s32 s12, s7;
	s16 =	sadd.s32 s25, s7  }
0x11: {  	s13 =	sshrl.u32 s13, $0x3;
	s31 =	sshrl.u32 s30, $0x3;
	s14 =	sadd.s32 s29, s14  }
0x12: {  	s17 =	sshrl.u32 s19, $0x3;
	s19 =	simm.s32 $0x80;
	s13 =	sadd.s32 s13, s7  }
0x13: {  	s7 =	sadd.s32 $0x1B200, s12;
	s9 =	sadd.s32 $0x16200, s16;
	s11 =	sadd.s32 s11, s31  }
0x14: {  	s12 =	smax.u32 s15, $0x1;
	s15 =	sshrl.u32 s26, $0x3;
	s16 =	simm.s32 $0x2  }
0x15: {  	s10 =	sadd.s32 $0x43200, s13;
	s13 =	sadd.s32 $0x2400, s14;
	s14 =	sadd.s32 $0xC200, s14  }
.LBB2_1:
0x16: {  	[spmem:s15], [sflag:s8] =	dma.local [hbm:s7], $0x2800  }
0x17: {  	_ =	swait.ge [sflag:s16], $0x2800  }
0x18: {  	[sflag:s16] =	ssyncset.done $0x0  }
0x19: {  	[sflag:s16] =	ssyncadd.s32 $0xFFFFD800  }
0x1a: {  	[spmem:s17], [sflag:s8] =	dma.local [hbm:s9], $0x500  }
0x1b: {  	_ =	swait.ge [sflag:s16], $0x500  }
0x1c: {  	[sflag:s16] =	ssyncset.done $0x0  }
0x1d: {  	[sflag:s16] =	ssyncadd.s32 $0xFFFFFB00  }
0x1e: {  	[tilespmem:s18], [sflag:$0x2] =	stream.linear.gather [hbm4b:s6+s5], $0x800, $0x38;
	[tilespmem:$0x1B100] =	vst v63  }
0x1f: {  	_ =	swait.ge [sflag:s16], $0x800  }
0x20: {  	[sflag:s16] =	ssyncset.done $0x0  }
0x21: {  	[sflag:s16] =	ssyncadd.s32 $0xFFFFF800  }
0x22: {  	s23 =	sadd.s32 $0x0, s14;
	[bflag:$0x0] =	sbarrier.arrive $0xFFFF  }
0x23: {  	[tilespmem:s5], [sflag:$0x2] =	stream.linear.gather [hbm4b:s23+s5], $0x80, $0x38;
	[tilespmem:$0x1B100] =	vst v63  }
0x24: {  	_ =	swait.ge [sflag:s16], $0x80  }
0x25: {  	[sflag:s16] =	ssyncset.done $0x0  }
0x26: {  	s31 =	sadd.s32 $0x0, s13;
	[sflag:s16] =	ssyncadd.s32 $0xFFFFFF80  }
0x27: {  	[tilespmem:s19], [sflag:$0x2] =	stream.linear.gather [hbm4b:s31+s5], $0x80, $0x38;
	[tilespmem:$0x1B100] =	vst v63  }
0x28: {  	_ =	swait.ge [sflag:s16], $0x80  }
0x29: {  	[sflag:s16] =	ssyncset.done $0x0  }
0x2a: {  	[sflag:s16] =	ssyncadd.s32 $0xFFFFFF80  }
0x2b: {  	[tilespmem:s20], [sflag:$0x1] =	stream.indirect.gather [hbm4b:s0+s19], $0x80, s5, s19, $0xb8;
	[tilespmem:$0x1B100] =	vst v63  }
0x2c: {  	_ =	swait.ge [sflag:s21], $0x4000  }
0x2d: {  	[sflag:s21] =	ssyncset.done $0x0  }
0x2e: {  	[sflag:s21] =	ssyncadd.s32 $0xFFFFC000  }
0x2f: {  	[spmem:s3] =	stream.indirect.scatter.add.f32 [tilespmem:s20], [sflag:$0x2], $0x80, s19, s19, $0xb8;
	[tilespmem:$0x1B100] =	vst v63  }
0x30: {  	_ =	swait.ge [sflag:s16], $0x4000  }
0x31: {  	[sflag:s16] =	ssyncset.done $0x0  }
0x32: {  	[sflag:s16] =	ssyncadd.s32 $0xFFFFC000  }
0x33: {  	[spmem:s4] =	stream.indirect.scatter.add.f32 [tilespmem:s18], [sflag:$0x2], $0x10, s19, s19, $0xb8;
	[tilespmem:$0x1B100] =	vst v63  }
0x34: {  	_ =	swait.ge [sflag:s16], $0x800  }
0x35: {  	s24 =	simm.s32 $0x20;
	s23 =	simm.s32 $0x10;
	[sflag:s16] =	ssyncset.done $0x0  }
.LBB2_2:
0x36: {  	s25 =	sadd.s32 s23, s14  }
0x37: {  	[sflag:s16] =	ssyncadd.s32 $0xFFFFF800;
	s26 =	smov.u32 s24;
	s28 =	sadd.s32 $0x10, s24  }
0x38: {  	[tilespmem:s5], [sflag:$0x2] =	stream.linear.gather [hbm4b:s25+s5], $0x80, $0x38;
	[tilespmem:$0x1B100] =	vst v63  }
0x39: {  	p0 =	sne.s32 s24, $0x4E0;
	_ =	swait.ge [sflag:s16], $0x80  }
0x3a: {  	[sflag:s16] =	ssyncset.done $0x0  }
0x3b: {  	s24 =	sadd.s32 s23, s13;
	s23 =	smov.u32 s26;
	[sflag:s16] =	ssyncadd.s32 $0xFFFFFF80  }
0x3c: {  	[tilespmem:s19], [sflag:$0x2] =	stream.linear.gather [hbm4b:s24+s5], $0x80, $0x38;
	[tilespmem:$0x1B100] =	vst v63  }
0x3d: {  	_ =	swait.ge [sflag:s16], $0x80  }
0x3e: {  	[sflag:s16] =	ssyncset.done $0x0  }
0x3f: {  	[sflag:s16] =	ssyncadd.s32 $0xFFFFFF80  }
0x40: {  	[tilespmem:s20], [sflag:$0x1] =	stream.indirect.gather [hbm4b:s0+s19], $0x80, s5, s19, $0xb8;
	[tilespmem:$0x1B100] =	vst v63  }
0x41: {  	_ =	swait.ge [sflag:s21], $0x4000  }
0x42: {  	[sflag:s21] =	ssyncset.done $0x0  }
0x43: {  	[sflag:s21] =	ssyncadd.s32 $0xFFFFC000  }
0x44: {  	[spmem:s3] =	stream.indirect.scatter.add.f32 [tilespmem:s20], [sflag:$0x2], $0x80, s19, s19, $0xb8;
	[tilespmem:$0x1B100] =	vst v63  }
0x45: {  	_ =	swait.ge [sflag:s16], $0x4000  }
.Ltmp0:
0x46: {  	[sflag:s16] =	ssyncset.done $0x0;
	(pc) =	sbr.rel @p0 .LBB2_2-.Ltmp0, $4  }
0x47: {  	[sflag:s16] =	ssyncadd.s32 $0xFFFFC000  }
0x48: {  	[spmem:s4] =	stream.indirect.scatter.add.f32 [tilespmem:s18], [sflag:$0x2], $0x10, s19, s19, $0xb8;
	[tilespmem:$0x1B100] =	vst v63  }
0x49: {  	_ =	swait.ge [sflag:s16], $0x800  }
0x4a: {  	s24 =	smov.u32 s28;
	[sflag:s16] =	ssyncset.done $0x0  }
0x4b: {  	s24 =	sadd.s32 s23, s14;
	[sflag:s16] =	ssyncadd.s32 $0xFFFFF800  }
0x4c: {  	[tilespmem:s5], [sflag:$0x2] =	stream.linear.gather [hbm4b:s24+s5], $0x80, $0x38;
	[tilespmem:$0x1B100] =	vst v63  }
0x4d: {  	_ =	swait.ge [sflag:s16], $0x80  }
0x4e: {  	[sflag:s16] =	ssyncset.done $0x0  }
0x4f: {  	s31 =	sadd.s32 s23, s13;
	[sflag:s16] =	ssyncadd.s32 $0xFFFFFF80  }
0x50: {  	[tilespmem:s19], [sflag:$0x2] =	stream.linear.gather [hbm4b:s31+s5], $0x80, $0x38;
	[tilespmem:$0x1B100] =	vst v63  }
0x51: {  	_ =	swait.ge [sflag:s16], $0x80  }
0x52: {  	[sflag:s16] =	ssyncset.done $0x0  }
0x53: {  	[sflag:s16] =	ssyncadd.s32 $0xFFFFFF80  }
0x54: {  	[tilespmem:s20], [sflag:$0x1] =	stream.indirect.gather [hbm4b:s0+s19], $0x80, s5, s19, $0xb8;
	[tilespmem:$0x1B100] =	vst v63  }
0x55: {  	_ =	swait.ge [sflag:s21], $0x4000  }
0x56: {  	[sflag:s21] =	ssyncset.done $0x0  }
0x57: {  	[sflag:s21] =	ssyncadd.s32 $0xFFFFC000  }
0x58: {  	[spmem:s3] =	stream.indirect.scatter.add.f32 [tilespmem:s20], [sflag:$0x2], $0x80, s19, s19, $0xb8;
	[tilespmem:$0x1B100] =	vst v63  }
0x59: {  	_ =	swait.ge [sflag:s16], $0x4000  }
0x5a: {  	[sflag:s16] =	ssyncset.done $0x0  }
0x5b: {  	[sflag:s16] =	ssyncadd.s32 $0xFFFFC000  }
0x5c: {  	[spmem:s4] =	stream.indirect.scatter.add.f32 [tilespmem:s18], [sflag:$0x2], $0x10, s19, s19, $0xb8;
	[tilespmem:$0x1B100] =	vst v63  }
0x5d: {  	_ =	swait.ge [sflag:s16], $0x800  }
0x5e: {  	[sflag:s16] =	ssyncset.done $0x0  }
0x5f: {  	[sflag:s16] =	ssyncadd.s32 $0xFFFFF800  }
0x60: {  	[bflag:$0x0] =	sbarrier.arrive $0xFFFF  }
0x61: {  	[hbm:s10], [sflag:s8] =	dma.local [spmem:s15], $0x2800  }
0x62: {  	s22 =	sadd.s32 $0x1, s22;
	_ =	swait.ge [sflag:s16], $0x2800  }
0x63: {  	p0 =	sne.s32 s22, s12;
	[sflag:s16] =	ssyncset.done $0x0  }
.Ltmp1:
0x64: {  	[sflag:s16] =	ssyncadd.s32 $0xFFFFD800;
	(pc) =	sbr.rel @p0 .LBB2_1-.Ltmp1, $4  }
0x65: {  	[hbm:s11], [sflag:s8] =	dma.local [spmem:s17], $0x500  }
0x66: {  	_ =	swait.ge [sflag:s16], $0x500  }
0x67: {  	[sflag:s16] =	ssyncset.done $0x0  }
0x68: {  	[sflag:s16] =	ssyncadd.s32 $0xFFFFFB00  }
0x69: {  	_ =	sfence.sel $0x180000  }
0x6a: {  	[bflag:$0x0] =	sbarrier.arrive $0xFFFF  }
0x6b: {  	p0 =	sne.s32 s1, $0x0;
	_ =	strace $0x90000047  }
0x6c: {  	s0 =	sadd.s32 @!p0 $0x100000, s2;
	[bflag:$0x2] =	sbarrier.arrive $0xFFFF  }
0x6d: {  	[sflag:s0] =	ssyncadd.tile.s32 @!p0 $0x1;
	_ =	shalt  }
.Lfunc_end2:
_tile_overlayer_lowered:
.L_overlay_start_2:
0x6e: {  	(tag) =	ssettag $0x2  }
0x6f: {  	s0 =	rddreg [dreg:$0x0];
	s2 =	stileid.u32  }
0x70: {  	s1 =	rddreg [dreg:$0x1];
	p0 =	sne.s32 s2, $0x0  }
0x71: {  	s3 =	rddreg [dreg:$0x2];
	[bflag:$0x3] =	sbarrier.arrive $0xFFFF;
	s2 =	simm.s32 @!p0 $0x1C02  }
0x72: {  	[timem:s3], [sflag:s2] =	dma.local @!p0 [hbm:s0], s1  }
0x73: {  	s0 =	simm.s32 @!p0 $0x2  }
0x74: {  	_ =	swait.ge @!p0 [sflag:s0], s1  }
0x75: {  	s1 =	ssub.s32 @!p0 $0x0, s1;
	[sflag:s0] =	ssyncset.done @!p0 $0x0  }
0x76: {  	[sflag:s0] =	ssyncadd.s32 @!p0 s1  }
0x77: {  	[bflag:$0x3] =	sbarrier.arrive $0xFFFF  }
0x78: {  	_ =	shalt  }

</sc_bundles>
